<compile_context>
chip_gen: v7x
topology: tpu7x:2x2x1
jax: 0.10.2.dev20260603
libtpu: 0.0.44.dev20260713+nightly
codegen_flags: <defaults>
</compile_context>

<pallas_src>
import functools
import jax
import jax.numpy as jnp
from jax import lax
from jax.experimental import pallas as pl
from jax.experimental.pallas import tpu as pltpu
from jax.experimental.pallas import tpu_sc as plsc

N_NODES = 10000
N_PAD = 10240
N_EDGES = 320000
D = 128
DH = D // 2

NC, NS = 2, 16
E_PER_TILE = N_EDGES // NS
CH = 80
N_CHUNKS = E_PER_TILE // CH
ROWS_PT = N_PAD // NS
NB = 4
NGRP = (N_CHUNKS - 2) // 8
DEG_CHUNKS = N_CHUNKS // 2

_mesh = plsc.VectorSubcoreMesh(
    core_axis_name="c", subcore_axis_name="s", num_cores=NC, num_subcores=NS)

_f32 = jnp.float32
_params = pltpu.CompilerParams(use_tc_tiling_on_sc=False)


def _zero_vmem_2d(ref, rows, cols):
  z = jnp.zeros((16,), _f32)
  per_row = cols // 16

  def body(i, _):
    ref[i // per_row, pl.ds((i % per_row) * 16, 16)] = z
    return 0

  lax.fori_loop(0, rows * per_row, body, 0)


@functools.partial(
    pl.kernel,
    out_type=jax.ShapeDtypeStruct((NC, N_PAD), _f32),
    mesh=_mesh,
    scratch_types=[
        pltpu.VMEM((DEG_CHUNKS, CH), jnp.int32),
        pltpu.VMEM((CH,), _f32),
        pltpu.VMEM((ROWS_PT,), _f32),
        pltpu.VMEM_SHARED((N_PAD,), _f32),
        pltpu.SemaphoreType.DMA,
    ],
    compiler_params=_params,
)
def _deg_kernel(dst_hbm, deg_out, idx_v, ones_v, zbuf_v, acc_sh, sem):
  c = lax.axis_index("c")
  s = lax.axis_index("s")
  wid = c * NS + s

  z = jnp.zeros((16,), _f32)
  for j in range(ROWS_PT // 16):
    zbuf_v[pl.ds(j * 16, 16)] = z
  one = jnp.ones((16,), _f32)
  for j in range(CH // 16):
    ones_v[pl.ds(j * 16, 16)] = one
  pltpu.sync_copy(zbuf_v, acc_sh.at[pl.ds(s * ROWS_PT, ROWS_PT)])
  pltpu.sync_copy(
      dst_hbm.at[wid // 2, pl.ds((wid % 2) * DEG_CHUNKS, DEG_CHUNKS), :],
      idx_v)
  plsc.subcore_barrier()

  W = 32

  def body(t, _):
    pltpu.async_copy(ones_v, acc_sh.at[idx_v.at[t]], sem, add=True)

    @pl.when(t >= W)
    def _():
      pltpu.make_async_copy(ones_v, acc_sh.at[idx_v.at[0]], sem).wait()

    return 0

  lax.fori_loop(0, DEG_CHUNKS, body, 0)

  def drain(t, _):
    pltpu.make_async_copy(ones_v, acc_sh.at[idx_v.at[0]], sem).wait()
    return 0

  lax.fori_loop(0, W, drain, 0)
  plsc.subcore_barrier()
  pltpu.sync_copy(acc_sh.at[pl.ds(s * ROWS_PT, ROWS_PT)],
                  deg_out.at[c, pl.ds(s * ROWS_PT, ROWS_PT)])


@functools.partial(
    pl.kernel,
    out_type=jax.ShapeDtypeStruct((NC, N_PAD, DH), _f32),
    mesh=_mesh,
    scratch_types=[
        pltpu.VMEM((N_CHUNKS, CH), jnp.int32),
        pltpu.VMEM((N_CHUNKS, CH), jnp.int32),
        [pltpu.VMEM((CH, DH), _f32)] * (2 * NB),
        pltpu.VMEM_SHARED((N_PAD, DH), _f32),
        [pltpu.SemaphoreType.DMA] * (2 * NB),
    ],
    compiler_params=_params,
)
def _edge_kernel(src_hbm, dst_hbm, g2_hbm, part_out, src_v, dst_v, bufs,
                 acc_sh, sems):
  c = lax.axis_index("c")
  s = lax.axis_index("s")
  g_hbm = g2_hbm.at[c]

  def fire_gather(t, k):
    pltpu.async_copy(g_hbm.at[src_v.at[t]], bufs[k], sems[k])

  def wait_gather(k):
    pltpu.make_async_copy(g_hbm.at[src_v.at[0]], bufs[k], sems[k]).wait()

  def fire_scatter(t, k):
    pltpu.async_copy(bufs[k], acc_sh.at[dst_v.at[t]], sems[k], add=True)

  def wait_scatter(k):
    pltpu.make_async_copy(bufs[k], acc_sh.at[dst_v.at[0]], sems[k]).wait()

  pltpu.async_copy(src_hbm.at[s], src_v, sems[0])
  pltpu.async_copy(dst_hbm.at[s], dst_v, sems[1])
  _zero_vmem_2d(bufs[0], CH, DH)
  for k in range(ROWS_PT // CH):
    pltpu.async_copy(bufs[0], acc_sh.at[pl.ds(s * ROWS_PT + k * CH, CH), :],
                     sems[2])
  for k in range(ROWS_PT // CH):
    pltpu.make_async_copy(bufs[0],
                          acc_sh.at[pl.ds(s * ROWS_PT, CH), :], sems[2]).wait()
  pltpu.make_async_copy(src_hbm.at[s], src_v, sems[0]).wait()
  pltpu.make_async_copy(dst_hbm.at[s], dst_v, sems[1]).wait()
  for k in range(NB):
    fire_gather(k, k)
  plsc.subcore_barrier()

  def body(i, _):
    t0 = i * 2 * NB

    @pl.when(i > 0)
    def _():
      for k in range(NB):
        wait_scatter(NB + k)
    for k in range(NB):
      fire_gather(t0 + NB + k, NB + k)
    for k in range(NB):
      wait_gather(k)
      fire_scatter(t0 + k, k)

    for k in range(NB):
      wait_scatter(k)
    for k in range(NB):
      @pl.when(t0 + 2 * NB + k < N_CHUNKS)
      def _():
        fire_gather(t0 + 2 * NB + k, k)
    for k in range(NB):
      wait_gather(NB + k)
      fire_scatter(t0 + NB + k, NB + k)
    return 0

  lax.fori_loop(0, NGRP, body, 0)

  for k in range(2):
    wait_gather(k)
    fire_scatter(NGRP * 2 * NB + k, k)
  for k in range(NB):
    wait_scatter(NB + k)
  for k in range(2):
    wait_scatter(k)

  plsc.subcore_barrier()
  pltpu.sync_copy(acc_sh.at[pl.ds(s * ROWS_PT, ROWS_PT), :],
                  part_out.at[c, pl.ds(s * ROWS_PT, ROWS_PT), :])


_RB = 2000


def _dinv_block(degp_ref):
  i = pl.program_id(0)
  deg = degp_ref[0, pl.ds(i, 1), :][0] + degp_ref[1, pl.ds(i, 1), :][0] + 1.0
  return lax.rsqrt(deg)


def _prep_body(x_ref, w_ref, degp_ref, g2_ref):
  h = jnp.dot(x_ref[...], w_ref[...], preferred_element_type=_f32)
  dinv = _dinv_block(degp_ref)
  g = h * dinv[:, None]
  g2_ref[0] = g[:, :DH]
  g2_ref[1] = g[:, DH:]


def _combine_body(p_ref, g2_ref, degp_ref, b_ref, out_ref):
  dinv = _dinv_block(degp_ref)
  ha = p_ref[0] + g2_ref[0]
  hb = p_ref[1] + g2_ref[1]
  acc = jnp.concatenate([ha, hb], axis=1)
  out_ref[...] = acc * dinv[:, None] + b_ref[0, :]


def kernel(x, edge_index, W, b):
  ei = edge_index.astype(jnp.int32)
  dst = ei[1].reshape(NS, N_CHUNKS, CH)
  ei_b = lax.optimization_barrier(ei)
  src = ei_b[0].reshape(NS, N_CHUNKS, CH)

  deg_part = _deg_kernel(dst)
  degs = deg_part[:, :N_NODES].reshape(NC, N_NODES // _RB, _RB)

  g2 = pl.pallas_call(
      _prep_body,
      grid=(N_NODES // _RB,),
      in_specs=[
          pl.BlockSpec((_RB, D), lambda i: (i, 0)),
          pl.BlockSpec((D, D), lambda i: (0, 0)),
          pl.BlockSpec((NC, N_NODES // _RB, _RB), lambda i: (0, 0, 0)),
      ],
      out_specs=pl.BlockSpec((NC, _RB, DH), lambda i: (0, i, 0)),
      out_shape=jax.ShapeDtypeStruct((NC, N_NODES, DH), _f32),
  )(x, W, degs)

  part = _edge_kernel(src, dst, g2)

  out = pl.pallas_call(
      _combine_body,
      grid=(N_NODES // _RB,),
      in_specs=[
          pl.BlockSpec((NC, _RB, DH), lambda i: (0, i, 0)),
          pl.BlockSpec((NC, _RB, DH), lambda i: (0, i, 0)),
          pl.BlockSpec((NC, N_NODES // _RB, _RB), lambda i: (0, 0, 0)),
          pl.BlockSpec((1, D), lambda i: (0, 0)),
      ],
      out_specs=pl.BlockSpec((_RB, D), lambda i: (i, 0)),
      out_shape=jax.ShapeDtypeStruct((N_NODES, D), _f32),
  )(part, g2, degs, b.reshape(1, D))

  return out

# --- scband reference (transcript-rebuilt; emitter-appended) ---
"""Pipeline reference for scband-one-layer-gcn-3728031613393 (READ-ONLY COPY).

The authoritative reference and input builder live on the scoring server;
editing this copy changes nothing except your own understanding.
"""

import jax, jax.numpy as jnp
import numpy as np

N_NODES = 10000
N_EDGES = 320000
D_IN = 128
D_OUT = 128


def setup_inputs(seed: int = 0) -> dict:
    key = jax.random.key(seed)
    k1, k2, k3 = jax.random.split(key, 3)
    x = jax.random.normal(k1, (N_NODES, D_IN), dtype=jnp.float32)
    edge_index = jax.random.randint(k2, (2, N_EDGES), 0, N_NODES, dtype=jnp.int64)
    # Glorot init for GCNConv linear weight (stored as [in, out] for x @ W)
    scale = jnp.sqrt(6.0 / (D_IN + D_OUT))
    W = jax.random.uniform(k3, (D_IN, D_OUT), dtype=jnp.float32, minval=-scale, maxval=scale)
    b = jnp.zeros((D_OUT,), dtype=jnp.float32)
    return {"x": x, "edge_index": edge_index, "W": W, "b": b}


def reference(x, edge_index, W, b):
    # Faithful GCNConv (PyG defaults: add_self_loops=True, normalize=True,
    # flow='source_to_target', aggr='add').
    N = x.shape[0]
    src = edge_index[0]
    dst = edge_index[1]
    # 1) add self-loops
    loop = jnp.arange(N, dtype=src.dtype)
    src = jnp.concatenate([src, loop])
    dst = jnp.concatenate([dst, loop])
    # 2) symmetric normalization: deg computed by scatter-add of ones on dst (col)
    ones = jnp.ones(src.shape[0], dtype=x.dtype)
    deg = jnp.zeros((N,), dtype=x.dtype).at[dst].add(ones)
    deg_inv_sqrt = jnp.where(deg > 0, deg ** -0.5, 0.0)
    norm = deg_inv_sqrt[src] * deg_inv_sqrt[dst]
    # 3) linear transform
    h = x @ W
    # 4) message passing: gather source features, scale, scatter-add to dst
    msgs = h[src] * norm[:, None]
    out = jnp.zeros((N, h.shape[1]), dtype=h.dtype).at[dst].add(msgs)
    # 5) bias
    out = out + b
    return out

if __name__ == "__main__":
    import jax
    _d = setup_inputs()
    print(jax.jit(kernel)(*tuple(_d.values())))

</pallas_src>

<mosaic_0001>
#map = affine_map<(d0, d1) -> (0, 0, 0)>
#map1 = affine_map<(d0, d1) -> (0, 0)>
module attributes {stable_mosaic.version = 14 : i64} {
  func.func @_deg_kernel(%arg0: i32, %arg1: i32, %arg2: memref<16x250x80xi32, #tpu.memory_space<hbm>>, %arg3: memref<2x10240xf32, #tpu.memory_space<hbm>>, %arg4: memref<125x80xi32, #tpu.memory_space<vmem>>, %arg5: memref<80xf32, #tpu.memory_space<vmem>>, %arg6: memref<640xf32, #tpu.memory_space<vmem>>, %arg7: memref<10240xf32, #tpu.memory_space<vmem_shared>>, %arg8: memref<!tpu.dma_semaphore, #tpu.memory_space<semaphore_mem>>) attributes {dimension_semantics = [#tpu.dimension_semantics<core_parallel>, #tpu.dimension_semantics<subcore_parallel>], iteration_bounds = array<i64: 2, 16>, scalar_prefetch = 0 : i64, scratch_operands = 5 : i64, tpu.core_type = #tpu.core_type<sc_vector_subcore>, window_params = [{transform_indices = #map}, {transform_indices = #map1}]} {
    %mul3A = arith.constant 16 : i32
    %mul3A_0 = arith.muli %arg0, %mul3A : i32
    %add3A = arith.addi %mul3A_0, %arg1 : i32
    %broadcast_in_dim3A = arith.constant 0.000000e+00 : f32
    %broadcast_in_dim3A_1 = vector.broadcast %broadcast_in_dim3A : f32 to vector<16xf32>
    %swap3A = arith.constant 0 : index
    %swap3A_2 = tpu.vector_load %arg6[%swap3A] {strides = array<i32>} : memref<640xf32, #tpu.memory_space<vmem>>, vector<16xf32>,
    %swap3A_3 = vector.shape_cast %swap3A_2 : vector<16xf32> to vector<16xf32>
    %swap3A_4 = vector.shape_cast %broadcast_in_dim3A_1 : vector<16xf32> to vector<16xf32>
    tpu.vector_store %arg6[%swap3A], %swap3A_4 {strides = array<i32>} : memref<640xf32, #tpu.memory_space<vmem>>, vector<16xf32>,
    %swap3A_5 = arith.constant 16 : index
    %swap3A_6 = tpu.vector_load %arg6[%swap3A_5] {strides = array<i32>} : memref<640xf32, #tpu.memory_space<vmem>>, vector<16xf32>,
    %swap3A_7 = vector.shape_cast %swap3A_6 : vector<16xf32> to vector<16xf32>
    %swap3A_8 = vector.shape_cast %broadcast_in_dim3A_1 : vector<16xf32> to vector<16xf32>
    tpu.vector_store %arg6[%swap3A_5], %swap3A_8 {strides = array<i32>} : memref<640xf32, #tpu.memory_space<vmem>>, vector<16xf32>,
    %swap3A_9 = arith.constant 32 : index
    %swap3A_10 = tpu.vector_load %arg6[%swap3A_9] {strides = array<i32>} : memref<640xf32, #tpu.memory_space<vmem>>, vector<16xf32>,
    %swap3A_11 = vector.shape_cast %swap3A_10 : vector<16xf32> to vector<16xf32>
    %swap3A_12 = vector.shape_cast %broadcast_in_dim3A_1 : vector<16xf32> to vector<16xf32>
    tpu.vector_store %arg6[%swap3A_9], %swap3A_12 {strides = array<i32>} : memref<640xf32, #tpu.memory_space<vmem>>, vector<16xf32>,
    %swap3A_13 = arith.constant 48 : index
    %swap3A_14 = tpu.vector_load %arg6[%swap3A_13] {strides = array<i32>} : memref<640xf32, #tpu.memory_space<vmem>>, vector<16xf32>,
    %swap3A_15 = vector.shape_cast %swap3A_14 : vector<16xf32> to vector<16xf32>
    %swap3A_16 = vector.shape_cast %broadcast_in_dim3A_1 : vector<16xf32> to vector<16xf32>
    tpu.vector_store %arg6[%swap3A_13], %swap3A_16 {strides = array<i32>} : memref<640xf32, #tpu.memory_space<vmem>>, vector<16xf32>,
    %swap3A_17 = arith.constant 64 : index
    %swap3A_18 = tpu.vector_load %arg6[%swap3A_17] {strides = array<i32>} : memref<640xf32, #tpu.memory_space<vmem>>, vector<16xf32>,
    %swap3A_19 = vector.shape_cast %swap3A_18 : vector<16xf32> to vector<16xf32>
    %swap3A_20 = vector.shape_cast %broadcast_in_dim3A_1 : vector<16xf32> to vector<16xf32>
    tpu.vector_store %arg6[%swap3A_17], %swap3A_20 {strides = array<i32>} : memref<640xf32, #tpu.memory_space<vmem>>, vector<16xf32>,
    %swap3A_21 = arith.constant 80 : index
    %swap3A_22 = tpu.vector_load %arg6[%swap3A_21] {strides = array<i32>} : memref<640xf32, #tpu.memory_space<vmem>>, vector<16xf32>,
    %swap3A_23 = vector.shape_cast %swap3A_22 : vector<16xf32> to vector<16xf32>
    %swap3A_24 = vector.shape_cast %broadcast_in_dim3A_1 : vector<16xf32> to vector<16xf32>
    tpu.vector_store %arg6[%swap3A_21], %swap3A_24 {strides = array<i32>} : memref<640xf32, #tpu.memory_space<vmem>>, vector<16xf32>,
    %swap3A_25 = arith.constant 96 : index
    %swap3A_26 = tpu.vector_load %arg6[%swap3A_25] {strides = array<i32>} : memref<640xf32, #tpu.memory_space<vmem>>, vector<16xf32>,
    %swap3A_27 = vector.shape_cast %swap3A_26 : vector<16xf32> to vector<16xf32>
    %swap3A_28 = vector.shape_cast %broadcast_in_dim3A_1 : vector<16xf32> to vector<16xf32>
    tpu.vector_store %arg6[%swap3A_25], %swap3A_28 {strides = array<i32>} : memref<640xf32, #tpu.memory_space<vmem>>, vector<16xf32>,
    %swap3A_29 = arith.constant 112 : index
    %swap3A_30 = tpu.vector_load %arg6[%swap3A_29] {strides = array<i32>} : memref<640xf32, #tpu.memory_space<vmem>>, vector<16xf32>,
    %swap3A_31 = vector.shape_cast %swap3A_30 : vector<16xf32> to vector<16xf32>
    %swap3A_32 = vector.shape_cast %broadcast_in_dim3A_1 : vector<16xf32> to vector<16xf32>
    tpu.vector_store %arg6[%swap3A_29], %swap3A_32 {strides = array<i32>} : memref<640xf32, #tpu.memory_space<vmem>>, vector<16xf32>,
    %swap3A_33 = arith.constant 128 : index
    %swap3A_34 = tpu.vector_load %arg6[%swap3A_33] {strides = array<i32>} : memref<640xf32, #tpu.memory_space<vmem>>, vector<16xf32>,
    %swap3A_35 = vector.shape_cast %swap3A_34 : vector<16xf32> to vector<16xf32>
    %swap3A_36 = vector.shape_cast %broadcast_in_dim3A_1 : vector<16xf32> to vector<16xf32>
    tpu.vector_store %arg6[%swap3A_33], %swap3A_36 {strides = array<i32>} : memref<640xf32, #tpu.memory_space<vmem>>, vector<16xf32>,
    %swap3A_37 = arith.constant 144 : index
    %swap3A_38 = tpu.vector_load %arg6[%swap3A_37] {strides = array<i32>} : memref<640xf32, #tpu.memory_space<vmem>>, vector<16xf32>,
    %swap3A_39 = vector.shape_cast %swap3A_38 : vector<16xf32> to vector<16xf32>
    %swap3A_40 = vector.shape_cast %broadcast_in_dim3A_1 : vector<16xf32> to vector<16xf32>
    tpu.vector_store %arg6[%swap3A_37], %swap3A_40 {strides = array<i32>} : memref<640xf32, #tpu.memory_space<vmem>>, vector<16xf32>,
    %swap3A_41 = arith.constant 160 : index
    %swap3A_42 = tpu.vector_load %arg6[%swap3A_41] {strides = array<i32>} : memref<640xf32, #tpu.memory_space<vmem>>, vector<16xf32>,
    %swap3A_43 = vector.shape_cast %swap3A_42 : vector<16xf32> to vector<16xf32>
    %swap3A_44 = vector.shape_cast %broadcast_in_dim3A_1 : vector<16xf32> to vector<16xf32>
    tpu.vector_store %arg6[%swap3A_41], %swap3A_44 {strides = array<i32>} : memref<640xf32, #tpu.memory_space<vmem>>, vector<16xf32>,
    %swap3A_45 = arith.constant 176 : index
    %swap3A_46 = tpu.vector_load %arg6[%swap3A_45] {strides = array<i32>} : memref<640xf32, #tpu.memory_space<vmem>>, vector<16xf32>,
    %swap3A_47 = vector.shape_cast %swap3A_46 : vector<16xf32> to vector<16xf32>
    %swap3A_48 = vector.shape_cast %broadcast_in_dim3A_1 : vector<16xf32> to vector<16xf32>
    tpu.vector_store %arg6[%swap3A_45], %swap3A_48 {strides = array<i32>} : memref<640xf32, #tpu.memory_space<vmem>>, vector<16xf32>,
    %swap3A_49 = arith.constant 192 : index
    %swap3A_50 = tpu.vector_load %arg6[%swap3A_49] {strides = array<i32>} : memref<640xf32, #tpu.memory_space<vmem>>, vector<16xf32>,
    %swap3A_51 = vector.shape_cast %swap3A_50 : vector<16xf32> to vector<16xf32>
    %swap3A_52 = vector.shape_cast %broadcast_in_dim3A_1 : vector<16xf32> to vector<16xf32>
    tpu.vector_store %arg6[%swap3A_49], %swap3A_52 {strides = array<i32>} : memref<640xf32, #tpu.memory_space<vmem>>, vector<16xf32>,
    %swap3A_53 = arith.constant 208 : index
    %swap3A_54 = tpu.vector_load %arg6[%swap3A_53] {strides = array<i32>} : memref<640xf32, #tpu.memory_space<vmem>>, vector<16xf32>,
    %swap3A_55 = vector.shape_cast %swap3A_54 : vector<16xf32> to vector<16xf32>
    %swap3A_56 = vector.shape_cast %broadcast_in_dim3A_1 : vector<16xf32> to vector<16xf32>
    tpu.vector_store %arg6[%swap3A_53], %swap3A_56 {strides = array<i32>} : memref<640xf32, #tpu.memory_space<vmem>>, vector<16xf32>,
    %swap3A_57 = arith.constant 224 : index
    %swap3A_58 = tpu.vector_load %arg6[%swap3A_57] {strides = array<i32>} : memref<640xf32, #tpu.memory_space<vmem>>, vector<16xf32>,
    %swap3A_59 = vector.shape_cast %swap3A_58 : vector<16xf32> to vector<16xf32>
    %swap3A_60 = vector.shape_cast %broadcast_in_dim3A_1 : vector<16xf32> to vector<16xf32>
    tpu.vector_store %arg6[%swap3A_57], %swap3A_60 {strides = array<i32>} : memref<640xf32, #tpu.memory_space<vmem>>, vector<16xf32>,
    %swap3A_61 = arith.constant 240 : index
    %swap3A_62 = tpu.vector_load %arg6[%swap3A_61] {strides = array<i32>} : memref<640xf32, #tpu.memory_space<vmem>>, vector<16xf32>,
    %swap3A_63 = vector.shape_cast %swap3A_62 : vector<16xf32> to vector<16xf32>
    %swap3A_64 = vector.shape_cast %broadcast_in_dim3A_1 : vector<16xf32> to vector<16xf32>
    tpu.vector_store %arg6[%swap3A_61], %swap3A_64 {strides = array<i32>} : memref<640xf32, #tpu.memory_space<vmem>>, vector<16xf32>,
    %swap3A_65 = arith.constant 256 : index
    %swap3A_66 = tpu.vector_load %arg6[%swap3A_65] {strides = array<i32>} : memref<640xf32, #tpu.memory_space<vmem>>, vector<16xf32>,
    %swap3A_67 = vector.shape_cast %swap3A_66 : vector<16xf32> to vector<16xf32>
    %swap3A_68 = vector.shape_cast %broadcast_in_dim3A_1 : vector<16xf32> to vector<16xf32>
    tpu.vector_store %arg6[%swap3A_65], %swap3A_68 {strides = array<i32>} : memref<640xf32, #tpu.memory_space<vmem>>, vector<16xf32>,
    %swap3A_69 = arith.constant 272 : index
    %swap3A_70 = tpu.vector_load %arg6[%swap3A_69] {strides = array<i32>} : memref<640xf32, #tpu.memory_space<vmem>>, vector<16xf32>,
    %swap3A_71 = vector.shape_cast %swap3A_70 : vector<16xf32> to vector<16xf32>
    %swap3A_72 = vector.shape_cast %broadcast_in_dim3A_1 : vector<16xf32> to vector<16xf32>
    tpu.vector_store %arg6[%swap3A_69], %swap3A_72 {strides = array<i32>} : memref<640xf32, #tpu.memory_space<vmem>>, vector<16xf32>,
    %swap3A_73 = arith.constant 288 : index
    %swap3A_74 = tpu.vector_load %arg6[%swap3A_73] {strides = array<i32>} : memref<640xf32, #tpu.memory_space<vmem>>, vector<16xf32>,
    %swap3A_75 = vector.shape_cast %swap3A_74 : vector<16xf32> to vector<16xf32>
    %swap3A_76 = vector.shape_cast %broadcast_in_dim3A_1 : vector<16xf32> to vector<16xf32>
    tpu.vector_store %arg6[%swap3A_73], %swap3A_76 {strides = array<i32>} : memref<640xf32, #tpu.memory_space<vmem>>, vector<16xf32>,
    %swap3A_77 = arith.constant 304 : index
    %swap3A_78 = tpu.vector_load %arg6[%swap3A_77] {strides = array<i32>} : memref<640xf32, #tpu.memory_space<vmem>>, vector<16xf32>,
    %swap3A_79 = vector.shape_cast %swap3A_78 : vector<16xf32> to vector<16xf32>
    %swap3A_80 = vector.shape_cast %broadcast_in_dim3A_1 : vector<16xf32> to vector<16xf32>
    tpu.vector_store %arg6[%swap3A_77], %swap3A_80 {strides = array<i32>} : memref<640xf32, #tpu.memory_space<vmem>>, vector<16xf32>,
    %swap3A_81 = arith.constant 320 : index
    %swap3A_82 = tpu.vector_load %arg6[%swap3A_81] {strides = array<i32>} : memref<640xf32, #tpu.memory_space<vmem>>, vector<16xf32>,
    %swap3A_83 = vector.shape_cast %swap3A_82 : vector<16xf32> to vector<16xf32>
    %swap3A_84 = vector.shape_cast %broadcast_in_dim3A_1 : vector<16xf32> to vector<16xf32>
    tpu.vector_store %arg6[%swap3A_81], %swap3A_84 {strides = array<i32>} : memref<640xf32, #tpu.memory_space<vmem>>, vector<16xf32>,
    %swap3A_85 = arith.constant 336 : index
    %swap3A_86 = tpu.vector_load %arg6[%swap3A_85] {strides = array<i32>} : memref<640xf32, #tpu.memory_space<vmem>>, vector<16xf32>,
    %swap3A_87 = vector.shape_cast %swap3A_86 : vector<16xf32> to vector<16xf32>
    %swap3A_88 = vector.shape_cast %broadcast_in_dim3A_1 : vector<16xf32> to vector<16xf32>
    tpu.vector_store %arg6[%swap3A_85], %swap3A_88 {strides = array<i32>} : memref<640xf32, #tpu.memory_space<vmem>>, vector<16xf32>,
    %swap3A_89 = arith.constant 352 : index
    %swap3A_90 = tpu.vector_load %arg6[%swap3A_89] {strides = array<i32>} : memref<640xf32, #tpu.memory_space<vmem>>, vector<16xf32>,
    %swap3A_91 = vector.shape_cast %swap3A_90 : vector<16xf32> to vector<16xf32>
    %swap3A_92 = vector.shape_cast %broadcast_in_dim3A_1 : vector<16xf32> to vector<16xf32>
    tpu.vector_store %arg6[%swap3A_89], %swap3A_92 {strides = array<i32>} : memref<640xf32, #tpu.memory_space<vmem>>, vector<16xf32>,
    %swap3A_93 = arith.constant 368 : index
    %swap3A_94 = tpu.vector_load %arg6[%swap3A_93] {strides = array<i32>} : memref<640xf32, #tpu.memory_space<vmem>>, vector<16xf32>,
    %swap3A_95 = vector.shape_cast %swap3A_94 : vector<16xf32> to vector<16xf32>
    %swap3A_96 = vector.shape_cast %broadcast_in_dim3A_1 : vector<16xf32> to vector<16xf32>
    tpu.vector_store %arg6[%swap3A_93], %swap3A_96 {strides = array<i32>} : memref<640xf32, #tpu.memory_space<vmem>>, vector<16xf32>,
    %swap3A_97 = arith.constant 384 : index
    %swap3A_98 = tpu.vector_load %arg6[%swap3A_97] {strides = array<i32>} : memref<640xf32, #tpu.memory_space<vmem>>, vector<16xf32>,
    %swap3A_99 = vector.shape_cast %swap3A_98 : vector<16xf32> to vector<16xf32>
    %swap3A_100 = vector.shape_cast %broadcast_in_dim3A_1 : vector<16xf32> to vector<16xf32>
    tpu.vector_store %arg6[%swap3A_97], %swap3A_100 {strides = array<i32>} : memref<640xf32, #tpu.memory_space<vmem>>, vector<16xf32>,
    %swap3A_101 = arith.constant 400 : index
    %swap3A_102 = tpu.vector_load %arg6[%swap3A_101] {strides = array<i32>} : memref<640xf32, #tpu.memory_space<vmem>>, vector<16xf32>,
    %swap3A_103 = vector.shape_cast %swap3A_102 : vector<16xf32> to vector<16xf32>
    %swap3A_104 = vector.shape_cast %broadcast_in_dim3A_1 : vector<16xf32> to vector<16xf32>
    tpu.vector_store %arg6[%swap3A_101], %swap3A_104 {strides = array<i32>} : memref<640xf32, #tpu.memory_space<vmem>>, vector<16xf32>,
    %swap3A_105 = arith.constant 416 : index
    %swap3A_106 = tpu.vector_load %arg6[%swap3A_105] {strides = array<i32>} : memref<640xf32, #tpu.memory_space<vmem>>, vector<16xf32>,
    %swap3A_107 = vector.shape_cast %swap3A_106 : vector<16xf32> to vector<16xf32>
    %swap3A_108 = vector.shape_cast %broadcast_in_dim3A_1 : vector<16xf32> to vector<16xf32>
    tpu.vector_store %arg6[%swap3A_105], %swap3A_108 {strides = array<i32>} : memref<640xf32, #tpu.memory_space<vmem>>, vector<16xf32>,
    %swap3A_109 = arith.constant 432 : index
    %swap3A_110 = tpu.vector_load %arg6[%swap3A_109] {strides = array<i32>} : memref<640xf32, #tpu.memory_space<vmem>>, vector<16xf32>,
    %swap3A_111 = vector.shape_cast %swap3A_110 : vector<16xf32> to vector<16xf32>
    %swap3A_112 = vector.shape_cast %broadcast_in_dim3A_1 : vector<16xf32> to vector<16xf32>
    tpu.vector_store %arg6[%swap3A_109], %swap3A_112 {strides = array<i32>} : memref<640xf32, #tpu.memory_space<vmem>>, vector<16xf32>,
    %swap3A_113 = arith.constant 448 : index
    %swap3A_114 = tpu.vector_load %arg6[%swap3A_113] {strides = array<i32>} : memref<640xf32, #tpu.memory_space<vmem>>, vector<16xf32>,
    %swap3A_115 = vector.shape_cast %swap3A_114 : vector<16xf32> to vector<16xf32>
    %swap3A_116 = vector.shape_cast %broadcast_in_dim3A_1 : vector<16xf32> to vector<16xf32>
    tpu.vector_store %arg6[%swap3A_113], %swap3A_116 {strides = array<i32>} : memref<640xf32, #tpu.memory_space<vmem>>, vector<16xf32>,
    %swap3A_117 = arith.constant 464 : index
    %swap3A_118 = tpu.vector_load %arg6[%swap3A_117] {strides = array<i32>} : memref<640xf32, #tpu.memory_space<vmem>>, vector<16xf32>,
    %swap3A_119 = vector.shape_cast %swap3A_118 : vector<16xf32> to vector<16xf32>
    %swap3A_120 = vector.shape_cast %broadcast_in_dim3A_1 : vector<16xf32> to vector<16xf32>
    tpu.vector_store %arg6[%swap3A_117], %swap3A_120 {strides = array<i32>} : memref<640xf32, #tpu.memory_space<vmem>>, vector<16xf32>,
    %swap3A_121 = arith.constant 480 : index
    %swap3A_122 = tpu.vector_load %arg6[%swap3A_121] {strides = array<i32>} : memref<640xf32, #tpu.memory_space<vmem>>, vector<16xf32>,
    %swap3A_123 = vector.shape_cast %swap3A_122 : vector<16xf32> to vector<16xf32>
    %swap3A_124 = vector.shape_cast %broadcast_in_dim3A_1 : vector<16xf32> to vector<16xf32>
    tpu.vector_store %arg6[%swap3A_121], %swap3A_124 {strides = array<i32>} : memref<640xf32, #tpu.memory_space<vmem>>, vector<16xf32>,
    %swap3A_125 = arith.constant 496 : index
    %swap3A_126 = tpu.vector_load %arg6[%swap3A_125] {strides = array<i32>} : memref<640xf32, #tpu.memory_space<vmem>>, vector<16xf32>,
    %swap3A_127 = vector.shape_cast %swap3A_126 : vector<16xf32> to vector<16xf32>
    %swap3A_128 = vector.shape_cast %broadcast_in_dim3A_1 : vector<16xf32> to vector<16xf32>
    tpu.vector_store %arg6[%swap3A_125], %swap3A_128 {strides = array<i32>} : memref<640xf32, #tpu.memory_space<vmem>>, vector<16xf32>,
    %swap3A_129 = arith.constant 512 : index
    %swap3A_130 = tpu.vector_load %arg6[%swap3A_129] {strides = array<i32>} : memref<640xf32, #tpu.memory_space<vmem>>, vector<16xf32>,
    %swap3A_131 = vector.shape_cast %swap3A_130 : vector<16xf32> to vector<16xf32>
    %swap3A_132 = vector.shape_cast %broadcast_in_dim3A_1 : vector<16xf32> to vector<16xf32>
    tpu.vector_store %arg6[%swap3A_129], %swap3A_132 {strides = array<i32>} : memref<640xf32, #tpu.memory_space<vmem>>, vector<16xf32>,
    %swap3A_133 = arith.constant 528 : index
    %swap3A_134 = tpu.vector_load %arg6[%swap3A_133] {strides = array<i32>} : memref<640xf32, #tpu.memory_space<vmem>>, vector<16xf32>,
    %swap3A_135 = vector.shape_cast %swap3A_134 : vector<16xf32> to vector<16xf32>
    %swap3A_136 = vector.shape_cast %broadcast_in_dim3A_1 : vector<16xf32> to vector<16xf32>
    tpu.vector_store %arg6[%swap3A_133], %swap3A_136 {strides = array<i32>} : memref<640xf32, #tpu.memory_space<vmem>>, vector<16xf32>,
    %swap3A_137 = arith.constant 544 : index
    %swap3A_138 = tpu.vector_load %arg6[%swap3A_137] {strides = array<i32>} : memref<640xf32, #tpu.memory_space<vmem>>, vector<16xf32>,
    %swap3A_139 = vector.shape_cast %swap3A_138 : vector<16xf32> to vector<16xf32>
    %swap3A_140 = vector.shape_cast %broadcast_in_dim3A_1 : vector<16xf32> to vector<16xf32>
    tpu.vector_store %arg6[%swap3A_137], %swap3A_140 {strides = array<i32>} : memref<640xf32, #tpu.memory_space<vmem>>, vector<16xf32>,
    %swap3A_141 = arith.constant 560 : index
    %swap3A_142 = tpu.vector_load %arg6[%swap3A_141] {strides = array<i32>} : memref<640xf32, #tpu.memory_space<vmem>>, vector<16xf32>,
    %swap3A_143 = vector.shape_cast %swap3A_142 : vector<16xf32> to vector<16xf32>
    %swap3A_144 = vector.shape_cast %broadcast_in_dim3A_1 : vector<16xf32> to vector<16xf32>
    tpu.vector_store %arg6[%swap3A_141], %swap3A_144 {strides = array<i32>} : memref<640xf32, #tpu.memory_space<vmem>>, vector<16xf32>,
    %swap3A_145 = arith.constant 576 : index
    %swap3A_146 = tpu.vector_load %arg6[%swap3A_145] {strides = array<i32>} : memref<640xf32, #tpu.memory_space<vmem>>, vector<16xf32>,
    %swap3A_147 = vector.shape_cast %swap3A_146 : vector<16xf32> to vector<16xf32>
    %swap3A_148 = vector.shape_cast %broadcast_in_dim3A_1 : vector<16xf32> to vector<16xf32>
    tpu.vector_store %arg6[%swap3A_145], %swap3A_148 {strides = array<i32>} : memref<640xf32, #tpu.memory_space<vmem>>, vector<16xf32>,
    %swap3A_149 = arith.constant 592 : index
    %swap3A_150 = tpu.vector_load %arg6[%swap3A_149] {strides = array<i32>} : memref<640xf32, #tpu.memory_space<vmem>>, vector<16xf32>,
    %swap3A_151 = vector.shape_cast %swap3A_150 : vector<16xf32> to vector<16xf32>
    %swap3A_152 = vector.shape_cast %broadcast_in_dim3A_1 : vector<16xf32> to vector<16xf32>
    tpu.vector_store %arg6[%swap3A_149], %swap3A_152 {strides = array<i32>} : memref<640xf32, #tpu.memory_space<vmem>>, vector<16xf32>,
    %swap3A_153 = arith.constant 608 : index
    %swap3A_154 = tpu.vector_load %arg6[%swap3A_153] {strides = array<i32>} : memref<640xf32, #tpu.memory_space<vmem>>, vector<16xf32>,
    %swap3A_155 = vector.shape_cast %swap3A_154 : vector<16xf32> to vector<16xf32>
    %swap3A_156 = vector.shape_cast %broadcast_in_dim3A_1 : vector<16xf32> to vector<16xf32>
    tpu.vector_store %arg6[%swap3A_153], %swap3A_156 {strides = array<i32>} : memref<640xf32, #tpu.memory_space<vmem>>, vector<16xf32>,
    %swap3A_157 = arith.constant 624 : index
    %swap3A_158 = tpu.vector_load %arg6[%swap3A_157] {strides = array<i32>} : memref<640xf32, #tpu.memory_space<vmem>>, vector<16xf32>,
    %swap3A_159 = vector.shape_cast %swap3A_158 : vector<16xf32> to vector<16xf32>
    %swap3A_160 = vector.shape_cast %broadcast_in_dim3A_1 : vector<16xf32> to vector<16xf32>
    tpu.vector_store %arg6[%swap3A_157], %swap3A_160 {strides = array<i32>} : memref<640xf32, #tpu.memory_space<vmem>>, vector<16xf32>,
    %broadcast_in_dim3A_161 = arith.constant 1.000000e+00 : f32
    %broadcast_in_dim3A_162 = vector.broadcast %broadcast_in_dim3A_161 : f32 to vector<16xf32>
    %swap3A_163 = arith.constant 0 : index
    %swap3A_164 = tpu.vector_load %arg5[%swap3A_163] {strides = array<i32>} : memref<80xf32, #tpu.memory_space<vmem>>, vector<16xf32>,
    %swap3A_165 = vector.shape_cast %swap3A_164 : vector<16xf32> to vector<16xf32>
    %swap3A_166 = vector.shape_cast %broadcast_in_dim3A_162 : vector<16xf32> to vector<16xf32>
    tpu.vector_store %arg5[%swap3A_163], %swap3A_166 {strides = array<i32>} : memref<80xf32, #tpu.memory_space<vmem>>, vector<16xf32>,
    %swap3A_167 = arith.constant 16 : index
    %swap3A_168 = tpu.vector_load %arg5[%swap3A_167] {strides = array<i32>} : memref<80xf32, #tpu.memory_space<vmem>>, vector<16xf32>,
    %swap3A_169 = vector.shape_cast %swap3A_168 : vector<16xf32> to vector<16xf32>
    %swap3A_170 = vector.shape_cast %broadcast_in_dim3A_162 : vector<16xf32> to vector<16xf32>
    tpu.vector_store %arg5[%swap3A_167], %swap3A_170 {strides = array<i32>} : memref<80xf32, #tpu.memory_space<vmem>>, vector<16xf32>,
    %swap3A_171 = arith.constant 32 : index
    %swap3A_172 = tpu.vector_load %arg5[%swap3A_171] {strides = array<i32>} : memref<80xf32, #tpu.memory_space<vmem>>, vector<16xf32>,
    %swap3A_173 = vector.shape_cast %swap3A_172 : vector<16xf32> to vector<16xf32>
    %swap3A_174 = vector.shape_cast %broadcast_in_dim3A_162 : vector<16xf32> to vector<16xf32>
    tpu.vector_store %arg5[%swap3A_171], %swap3A_174 {strides = array<i32>} : memref<80xf32, #tpu.memory_space<vmem>>, vector<16xf32>,
    %swap3A_175 = arith.constant 48 : index
    %swap3A_176 = tpu.vector_load %arg5[%swap3A_175] {strides = array<i32>} : memref<80xf32, #tpu.memory_space<vmem>>, vector<16xf32>,
    %swap3A_177 = vector.shape_cast %swap3A_176 : vector<16xf32> to vector<16xf32>
    %swap3A_178 = vector.shape_cast %broadcast_in_dim3A_162 : vector<16xf32> to vector<16xf32>
    tpu.vector_store %arg5[%swap3A_175], %swap3A_178 {strides = array<i32>} : memref<80xf32, #tpu.memory_space<vmem>>, vector<16xf32>,
    %swap3A_179 = arith.constant 64 : index
    %swap3A_180 = tpu.vector_load %arg5[%swap3A_179] {strides = array<i32>} : memref<80xf32, #tpu.memory_space<vmem>>, vector<16xf32>,
    %swap3A_181 = vector.shape_cast %swap3A_180 : vector<16xf32> to vector<16xf32>
    %swap3A_182 = vector.shape_cast %broadcast_in_dim3A_162 : vector<16xf32> to vector<16xf32>
    tpu.vector_store %arg5[%swap3A_179], %swap3A_182 {strides = array<i32>} : memref<80xf32, #tpu.memory_space<vmem>>, vector<16xf32>,
    %mul3A_183 = arith.constant 640 : i32
    %mul3A_184 = arith.muli %arg1, %mul3A_183 : i32
    "tpu.region"() ({
      %run_scoped3A = tpu.sem_alloc : memref<!tpu.dma_semaphore, #tpu.memory_space<semaphore_mem>>
      %dma_start3A = tpu.memref_slice %arg7[%mul3A_184] : memref<10240xf32, #tpu.memory_space<vmem_shared>> -> memref<640xf32, #tpu.memory_space<vmem_shared>>
      %dma_start3A_235 = tpu.memref_slice %arg7[%mul3A_184] : memref<10240xf32, #tpu.memory_space<vmem_shared>> -> memref<640xf32, #tpu.memory_space<vmem_shared>>
      tpu.enqueue_dma source(%arg6 : memref<640xf32, #tpu.memory_space<vmem>>) target(%dma_start3A_235 : memref<640xf32, #tpu.memory_space<vmem_shared>>) target_semaphore(%run_scoped3A : memref<!tpu.dma_semaphore, #tpu.memory_space<semaphore_mem>>)
      %dma_wait3A = tpu.memref_slice %arg7[%mul3A_184] : memref<10240xf32, #tpu.memory_space<vmem_shared>> -> memref<640xf32, #tpu.memory_space<vmem_shared>>
      %dma_wait3A_236 = tpu.memref_slice %arg7[%mul3A_184] : memref<10240xf32, #tpu.memory_space<vmem_shared>> -> memref<640xf32, #tpu.memory_space<vmem_shared>>
      tpu.wait_dma2 semaphore(%run_scoped3A : memref<!tpu.dma_semaphore, #tpu.memory_space<semaphore_mem>>) src(%arg6 : memref<640xf32, #tpu.memory_space<vmem>>) dst(%dma_wait3A_236 : memref<640xf32, #tpu.memory_space<vmem_shared>>)
      tpu.yield
    }) : () -> ()
    %jit3A = arith.constant 2 : i32
    %div3A = arith.divsi %add3A, %jit3A : i32
    %sign3A = arith.constant 0 : i32
    %sign3A_185 = arith.cmpi sgt, %add3A, %sign3A : i32
    %sign3A_186 = arith.extui %sign3A_185 : i1 to i32
    %sign3A_187 = arith.constant 0 : i32
    %sign3A_188 = arith.cmpi slt, %add3A, %sign3A_187 : i32
    %sign3A_189 = arith.extui %sign3A_188 : i1 to i32
    %sign3A_190 = arith.subi %sign3A_186, %sign3A_189 : i32
    %sign3A_191 = arith.constant 0 : i32
    %sign3A_192 = arith.cmpi sgt, %jit3A, %sign3A_191 : i32
    %sign3A_193 = arith.extui %sign3A_192 : i1 to i32
    %sign3A_194 = arith.constant 0 : i32
    %sign3A_195 = arith.cmpi slt, %jit3A, %sign3A_194 : i32
    %sign3A_196 = arith.extui %sign3A_195 : i1 to i32
    %sign3A_197 = arith.subi %sign3A_193, %sign3A_196 : i32
    %ne3A = arith.cmpi ne, %sign3A_190, %sign3A_197 : i32
    %rem3A = arith.remsi %add3A, %jit3A : i32
    %ne3A_198 = arith.constant 0 : i32
    %ne3A_199 = arith.cmpi ne, %rem3A, %ne3A_198 : i32
    %and3A = arith.andi %ne3A, %ne3A_199 : i1
    %sub3A = arith.constant 1 : i32
    %sub3A_200 = arith.subi %div3A, %sub3A : i32
    %select_n3A = arith.select %and3A, %sub3A_200, %div3A : i32
    %jit3A_201 = arith.constant 2 : i32
    %eq3A = arith.constant 0 : i32
    %eq3A_202 = arith.cmpi eq, %jit3A_201, %eq3A : i32
    %jit3A_203 = arith.constant 1 : i32
    %select_n3A_204 = arith.select %eq3A_202, %jit3A_203, %jit3A_201 : i32
    %rem3A_205 = arith.remsi %add3A, %select_n3A_204 : i32
    %ne3A_206 = arith.constant 0 : i32
    %ne3A_207 = arith.cmpi ne, %rem3A_205, %ne3A_206 : i32
    %lt3A = arith.constant 0 : i32
    %lt3A_208 = arith.cmpi slt, %rem3A_205, %lt3A : i32
    %lt3A_209 = arith.constant 0 : i32
    %lt3A_210 = arith.cmpi slt, %select_n3A_204, %lt3A_209 : i32
    %ne3A_211 = arith.xori %lt3A_208, %lt3A_210 : i1
    %and3A_212 = arith.andi %ne3A_211, %ne3A_207 : i1
    %add3A_213 = arith.addi %rem3A_205, %select_n3A_204 : i32
    %select_n3A_214 = arith.select %and3A_212, %add3A_213, %rem3A_205 : i32
    %mul3A_215 = arith.constant 125 : i32
    %mul3A_216 = arith.muli %select_n3A_214, %mul3A_215 : i32
    "tpu.region"() ({
      %run_scoped3A = tpu.sem_alloc : memref<!tpu.dma_semaphore, #tpu.memory_space<semaphore_mem>>
      %dma_start3A = arith.constant 0 : i32
      %dma_start3A_235 = tpu.memref_slice %arg2[%select_n3A, %mul3A_216, %dma_start3A] : memref<16x250x80xi32, #tpu.memory_space<hbm>> -> memref<1x125x80xi32, #tpu.memory_space<hbm>>
      %dma_start3A_236 = tpu.memref_squeeze %dma_start3A_235 : memref<1x125x80xi32, #tpu.memory_space<hbm>> -> memref<125x80xi32, #tpu.memory_space<hbm>>
      %dma_start3A_237 = arith.constant 0 : i32
      %dma_start3A_238 = tpu.memref_slice %arg2[%select_n3A, %mul3A_216, %dma_start3A_237] : memref<16x250x80xi32, #tpu.memory_space<hbm>> -> memref<1x125x80xi32, #tpu.memory_space<hbm>>
      %dma_start3A_239 = tpu.memref_squeeze %dma_start3A_238 : memref<1x125x80xi32, #tpu.memory_space<hbm>> -> memref<125x80xi32, #tpu.memory_space<hbm>>
      tpu.enqueue_dma source(%dma_start3A_239 : memref<125x80xi32, #tpu.memory_space<hbm>>) target(%arg4 : memref<125x80xi32, #tpu.memory_space<vmem>>) target_semaphore(%run_scoped3A : memref<!tpu.dma_semaphore, #tpu.memory_space<semaphore_mem>>)
      %dma_wait3A = arith.constant 0 : i32
      %dma_wait3A_240 = tpu.memref_slice %arg2[%select_n3A, %mul3A_216, %dma_wait3A] : memref<16x250x80xi32, #tpu.memory_space<hbm>> -> memref<1x125x80xi32, #tpu.memory_space<hbm>>
      %dma_wait3A_241 = tpu.memref_squeeze %dma_wait3A_240 : memref<1x125x80xi32, #tpu.memory_space<hbm>> -> memref<125x80xi32, #tpu.memory_space<hbm>>
      %dma_wait3A_242 = arith.constant 0 : i32
      %dma_wait3A_243 = tpu.memref_slice %arg2[%select_n3A, %mul3A_216, %dma_wait3A_242] : memref<16x250x80xi32, #tpu.memory_space<hbm>> -> memref<1x125x80xi32, #tpu.memory_space<hbm>>
      %dma_wait3A_244 = tpu.memref_squeeze %dma_wait3A_243 : memref<1x125x80xi32, #tpu.memory_space<hbm>> -> memref<125x80xi32, #tpu.memory_space<hbm>>
      tpu.wait_dma2 semaphore(%run_scoped3A : memref<!tpu.dma_semaphore, #tpu.memory_space<semaphore_mem>>) src(%dma_wait3A_244 : memref<125x80xi32, #tpu.memory_space<hbm>>) dst(%arg4 : memref<125x80xi32, #tpu.memory_space<vmem>>)
      tpu.yield
    }) : () -> ()
    %barrier3A = arith.constant 0 : index
    tpu.barrier barrier_id(%barrier3A)
    %scan3A = arith.constant 0 : i32
    %scan3A_217 = arith.constant 0 : i32
    %scan3A_218 = arith.constant 125 : i32
    %scan3A_219 = arith.addi %scan3A_217, %scan3A_218 : i32
    %scan3A_220 = arith.constant 1 : i32
    %scan3A_221 = scf.for %scan3A_235 = %scan3A_217 to %scan3A_219 step %scan3A_220 iter_args(%scan3A_236 = %scan3A) -> (i32)  : i32 {
      %dma_start3A = arith.constant 0 : i32
      %dma_start3A_237 = tpu.memref_slice %arg4[%scan3A_235, %dma_start3A] : memref<125x80xi32, #tpu.memory_space<vmem>> -> memref<1x80xi32, #tpu.memory_space<vmem>>
      %dma_start3A_238 = tpu.memref_squeeze %dma_start3A_237 : memref<1x80xi32, #tpu.memory_space<vmem>> -> memref<80xi32, #tpu.memory_space<vmem>>
      %dma_start3A_239 = arith.constant 0 : i32
      %dma_start3A_240 = tpu.memref_slice %arg7[%dma_start3A_239] : memref<10240xf32, #tpu.memory_space<vmem_shared>> -> memref<10240xf32, #tpu.memory_space<vmem_shared>>
      tpu.enqueue_indirect_dma source(%arg5 : memref<80xf32, #tpu.memory_space<vmem>>) target(%dma_start3A_240 : memref<10240xf32, #tpu.memory_space<vmem_shared>>) offsets(%dma_start3A_238 : memref<80xi32, #tpu.memory_space<vmem>>) semaphore(%arg8 : memref<!tpu.dma_semaphore, #tpu.memory_space<semaphore_mem>>) {add = true}
      %ge3A = arith.constant 32 : i32
      %ge3A_241 = arith.cmpi sge, %scan3A_235, %ge3A : i32
      %convert_element_type3A = arith.extui %ge3A_241 : i1 to i32
      %cond3A = arith.constant 0 : i32
      %cond3A_242 = arith.cmpi ne, %convert_element_type3A, %cond3A : i32
      scf.if %cond3A_242 {
        %dma_wait3A = arith.constant 0 : i32
        %dma_wait3A_244 = arith.constant 0 : i32
        %dma_wait3A_245 = tpu.memref_slice %arg4[%dma_wait3A, %dma_wait3A_244] : memref<125x80xi32, #tpu.memory_space<vmem>> -> memref<1x80xi32, #tpu.memory_space<vmem>>
        %dma_wait3A_246 = tpu.memref_squeeze %dma_wait3A_245 : memref<1x80xi32, #tpu.memory_space<vmem>> -> memref<80xi32, #tpu.memory_space<vmem>>
        %dma_wait3A_247 = arith.constant 0 : i32
        %dma_wait3A_248 = tpu.memref_slice %arg7[%dma_wait3A_247] : memref<10240xf32, #tpu.memory_space<vmem_shared>> -> memref<10240xf32, #tpu.memory_space<vmem_shared>>
        tpu.wait_indirect_dma semaphore(%arg8 : memref<!tpu.dma_semaphore, #tpu.memory_space<semaphore_mem>>) src(%arg5 : memref<80xf32, #tpu.memory_space<vmem>>) dst(%dma_wait3A_248 : memref<10240xf32, #tpu.memory_space<vmem_shared>>)
      } else {
      }
      %scan3A_243 = arith.constant 0 : i32
      scf.yield %scan3A_243 : i32
    }
    %scan3A_222 = arith.constant 125 : i32
    %scan3A_223 = arith.constant 0 : i32
    %scan3A_224 = arith.constant 0 : i32
    %scan3A_225 = arith.constant 32 : i32
    %scan3A_226 = arith.addi %scan3A_224, %scan3A_225 : i32
    %scan3A_227 = arith.constant 1 : i32
    %scan3A_228 = scf.for %scan3A_235 = %scan3A_224 to %scan3A_226 step %scan3A_227 iter_args(%scan3A_236 = %scan3A_223) -> (i32)  : i32 {
      %dma_wait3A = arith.constant 0 : i32
      %dma_wait3A_237 = arith.constant 0 : i32
      %dma_wait3A_238 = tpu.memref_slice %arg4[%dma_wait3A, %dma_wait3A_237] : memref<125x80xi32, #tpu.memory_space<vmem>> -> memref<1x80xi32, #tpu.memory_space<vmem>>
      %dma_wait3A_239 = tpu.memref_squeeze %dma_wait3A_238 : memref<1x80xi32, #tpu.memory_space<vmem>> -> memref<80xi32, #tpu.memory_space<vmem>>
      %dma_wait3A_240 = arith.constant 0 : i32
      %dma_wait3A_241 = tpu.memref_slice %arg7[%dma_wait3A_240] : memref<10240xf32, #tpu.memory_space<vmem_shared>> -> memref<10240xf32, #tpu.memory_space<vmem_shared>>
      tpu.wait_indirect_dma semaphore(%arg8 : memref<!tpu.dma_semaphore, #tpu.memory_space<semaphore_mem>>) src(%arg5 : memref<80xf32, #tpu.memory_space<vmem>>) dst(%dma_wait3A_241 : memref<10240xf32, #tpu.memory_space<vmem_shared>>)
      %scan3A_242 = arith.constant 0 : i32
      scf.yield %scan3A_242 : i32
    }
    %scan3A_229 = arith.constant 32 : i32
    %barrier3A_230 = arith.constant 0 : index
    tpu.barrier barrier_id(%barrier3A_230)
    %mul3A_231 = arith.constant 640 : i32
    %mul3A_232 = arith.muli %arg1, %mul3A_231 : i32
    %mul3A_233 = arith.constant 640 : i32
    %mul3A_234 = arith.muli %arg1, %mul3A_233 : i32
    "tpu.region"() ({
      %run_scoped3A = tpu.sem_alloc : memref<!tpu.dma_semaphore, #tpu.memory_space<semaphore_mem>>
      %dma_start3A = tpu.memref_slice %arg3[%arg0, %mul3A_234] : memref<2x10240xf32, #tpu.memory_space<hbm>> -> memref<1x640xf32, #tpu.memory_space<hbm>>
      %dma_start3A_235 = tpu.memref_squeeze %dma_start3A : memref<1x640xf32, #tpu.memory_space<hbm>> -> memref<640xf32, #tpu.memory_space<hbm>>
      %dma_start3A_236 = tpu.memref_slice %arg7[%mul3A_232] : memref<10240xf32, #tpu.memory_space<vmem_shared>> -> memref<640xf32, #tpu.memory_space<vmem_shared>>
      tpu.enqueue_dma source(%dma_start3A_236 : memref<640xf32, #tpu.memory_space<vmem_shared>>) target(%dma_start3A_235 : memref<640xf32, #tpu.memory_space<hbm>>) target_semaphore(%run_scoped3A : memref<!tpu.dma_semaphore, #tpu.memory_space<semaphore_mem>>)
      %dma_wait3A = tpu.memref_slice %arg3[%arg0, %mul3A_234] : memref<2x10240xf32, #tpu.memory_space<hbm>> -> memref<1x640xf32, #tpu.memory_space<hbm>>
      %dma_wait3A_237 = tpu.memref_squeeze %dma_wait3A : memref<1x640xf32, #tpu.memory_space<hbm>> -> memref<640xf32, #tpu.memory_space<hbm>>
      %dma_wait3A_238 = tpu.memref_slice %arg7[%mul3A_232] : memref<10240xf32, #tpu.memory_space<vmem_shared>> -> memref<640xf32, #tpu.memory_space<vmem_shared>>
      tpu.wait_dma2 semaphore(%run_scoped3A : memref<!tpu.dma_semaphore, #tpu.memory_space<semaphore_mem>>) src(%dma_wait3A_238 : memref<640xf32, #tpu.memory_space<vmem_shared>>) dst(%dma_wait3A_237 : memref<640xf32, #tpu.memory_space<hbm>>)
      tpu.yield
    }) : () -> ()
    return
  }
}

#map = affine_map<(d0, d1) -> (0, 0, 0)>
module attributes {stable_mosaic.version = 14 : i64} {
  func.func @_edge_kernel(%arg0: i32, %arg1: i32, %arg2: memref<16x250x80xi32, #tpu.memory_space<hbm>>, %arg3: memref<16x250x80xi32, #tpu.memory_space<hbm>>, %arg4: memref<2x10000x64xf32, #tpu.memory_space<hbm>>, %arg5: memref<2x10240x64xf32, #tpu.memory_space<hbm>>, %arg6: memref<250x80xi32, #tpu.memory_space<vmem>>, %arg7: memref<250x80xi32, #tpu.memory_space<vmem>>, %arg8: memref<80x64xf32, #tpu.memory_space<vmem>>, %arg9: memref<80x64xf32, #tpu.memory_space<vmem>>, %arg10: memref<80x64xf32, #tpu.memory_space<vmem>>, %arg11: memref<80x64xf32, #tpu.memory_space<vmem>>, %arg12: memref<80x64xf32, #tpu.memory_space<vmem>>, %arg13: memref<80x64xf32, #tpu.memory_space<vmem>>, %arg14: memref<80x64xf32, #tpu.memory_space<vmem>>, %arg15: memref<80x64xf32, #tpu.memory_space<vmem>>, %arg16: memref<10240x64xf32, #tpu.memory_space<vmem_shared>>, %arg17: memref<!tpu.dma_semaphore, #tpu.memory_space<semaphore_mem>>, %arg18: memref<!tpu.dma_semaphore, #tpu.memory_space<semaphore_mem>>, %arg19: memref<!tpu.dma_semaphore, #tpu.memory_space<semaphore_mem>>, %arg20: memref<!tpu.dma_semaphore, #tpu.memory_space<semaphore_mem>>, %arg21: memref<!tpu.dma_semaphore, #tpu.memory_space<semaphore_mem>>, %arg22: memref<!tpu.dma_semaphore, #tpu.memory_space<semaphore_mem>>, %arg23: memref<!tpu.dma_semaphore, #tpu.memory_space<semaphore_mem>>, %arg24: memref<!tpu.dma_semaphore, #tpu.memory_space<semaphore_mem>>) attributes {dimension_semantics = [#tpu.dimension_semantics<core_parallel>, #tpu.dimension_semantics<subcore_parallel>], iteration_bounds = array<i64: 2, 16>, scalar_prefetch = 0 : i64, scratch_operands = 19 : i64, tpu.core_type = #tpu.core_type<sc_vector_subcore>, window_params = [{transform_indices = #map}, {transform_indices = #map}, {transform_indices = #map}, {transform_indices = #map}]} {
    %dma_start3A = arith.constant 0 : i32
    %dma_start3A_0 = arith.constant 0 : i32
    %dma_start3A_1 = tpu.memref_slice %arg2[%arg1, %dma_start3A, %dma_start3A_0] : memref<16x250x80xi32, #tpu.memory_space<hbm>> -> memref<1x250x80xi32, #tpu.memory_space<hbm>>
    %dma_start3A_2 = tpu.memref_squeeze %dma_start3A_1 : memref<1x250x80xi32, #tpu.memory_space<hbm>> -> memref<250x80xi32, #tpu.memory_space<hbm>>
    %dma_start3A_3 = arith.constant 0 : i32
    %dma_start3A_4 = arith.constant 0 : i32
    %dma_start3A_5 = tpu.memref_slice %arg2[%arg1, %dma_start3A_3, %dma_start3A_4] : memref<16x250x80xi32, #tpu.memory_space<hbm>> -> memref<1x250x80xi32, #tpu.memory_space<hbm>>
    %dma_start3A_6 = tpu.memref_squeeze %dma_start3A_5 : memref<1x250x80xi32, #tpu.memory_space<hbm>> -> memref<250x80xi32, #tpu.memory_space<hbm>>
    tpu.enqueue_dma source(%dma_start3A_6 : memref<250x80xi32, #tpu.memory_space<hbm>>) target(%arg6 : memref<250x80xi32, #tpu.memory_space<vmem>>) target_semaphore(%arg17 : memref<!tpu.dma_semaphore, #tpu.memory_space<semaphore_mem>>)
    %dma_start3A_7 = arith.constant 0 : i32
    %dma_start3A_8 = arith.constant 0 : i32
    %dma_start3A_9 = tpu.memref_slice %arg3[%arg1, %dma_start3A_7, %dma_start3A_8] : memref<16x250x80xi32, #tpu.memory_space<hbm>> -> memref<1x250x80xi32, #tpu.memory_space<hbm>>
    %dma_start3A_10 = tpu.memref_squeeze %dma_start3A_9 : memref<1x250x80xi32, #tpu.memory_space<hbm>> -> memref<250x80xi32, #tpu.memory_space<hbm>>
    %dma_start3A_11 = arith.constant 0 : i32
    %dma_start3A_12 = arith.constant 0 : i32
    %dma_start3A_13 = tpu.memref_slice %arg3[%arg1, %dma_start3A_11, %dma_start3A_12] : memref<16x250x80xi32, #tpu.memory_space<hbm>> -> memref<1x250x80xi32, #tpu.memory_space<hbm>>
    %dma_start3A_14 = tpu.memref_squeeze %dma_start3A_13 : memref<1x250x80xi32, #tpu.memory_space<hbm>> -> memref<250x80xi32, #tpu.memory_space<hbm>>
    tpu.enqueue_dma source(%dma_start3A_14 : memref<250x80xi32, #tpu.memory_space<hbm>>) target(%arg7 : memref<250x80xi32, #tpu.memory_space<vmem>>) target_semaphore(%arg18 : memref<!tpu.dma_semaphore, #tpu.memory_space<semaphore_mem>>)
    %broadcast_in_dim3A = arith.constant 0.000000e+00 : f32
    %broadcast_in_dim3A_15 = vector.broadcast %broadcast_in_dim3A : f32 to vector<16xf32>
    %scan3A = arith.constant 0 : i32
    %scan3A_16 = arith.constant 0 : i32
    %scan3A_17 = arith.constant 320 : i32
    %scan3A_18 = arith.addi %scan3A_16, %scan3A_17 : i32
    %scan3A_19 = arith.constant 1 : i32
    %scan3A_20 = scf.for %scan3A_281 = %scan3A_16 to %scan3A_18 step %scan3A_19 iter_args(%scan3A_282 = %scan3A) -> (i32)  : i32 {
      %jit3A = arith.constant 4 : i32
      %div3A = arith.divsi %scan3A_281, %jit3A : i32
      %sign3A = arith.constant 0 : i32
      %sign3A_283 = arith.cmpi sgt, %scan3A_281, %sign3A : i32
      %sign3A_284 = arith.extui %sign3A_283 : i1 to i32
      %sign3A_285 = arith.constant 0 : i32
      %sign3A_286 = arith.cmpi slt, %scan3A_281, %sign3A_285 : i32
      %sign3A_287 = arith.extui %sign3A_286 : i1 to i32
      %sign3A_288 = arith.subi %sign3A_284, %sign3A_287 : i32
      %sign3A_289 = arith.constant 0 : i32
      %sign3A_290 = arith.cmpi sgt, %jit3A, %sign3A_289 : i32
      %sign3A_291 = arith.extui %sign3A_290 : i1 to i32
      %sign3A_292 = arith.constant 0 : i32
      %sign3A_293 = arith.cmpi slt, %jit3A, %sign3A_292 : i32
      %sign3A_294 = arith.extui %sign3A_293 : i1 to i32
      %sign3A_295 = arith.subi %sign3A_291, %sign3A_294 : i32
      %ne3A = arith.cmpi ne, %sign3A_288, %sign3A_295 : i32
      %rem3A = arith.remsi %scan3A_281, %jit3A : i32
      %ne3A_296 = arith.constant 0 : i32
      %ne3A_297 = arith.cmpi ne, %rem3A, %ne3A_296 : i32
      %and3A = arith.andi %ne3A, %ne3A_297 : i1
      %sub3A = arith.constant 1 : i32
      %sub3A_298 = arith.subi %div3A, %sub3A : i32
      %select_n3A = arith.select %and3A, %sub3A_298, %div3A : i32
      %jit3A_299 = arith.constant 4 : i32
      %eq3A = arith.constant 0 : i32
      %eq3A_300 = arith.cmpi eq, %jit3A_299, %eq3A : i32
      %jit3A_301 = arith.constant 1 : i32
      %select_n3A_302 = arith.select %eq3A_300, %jit3A_301, %jit3A_299 : i32
      %rem3A_303 = arith.remsi %scan3A_281, %select_n3A_302 : i32
      %ne3A_304 = arith.constant 0 : i32
      %ne3A_305 = arith.cmpi ne, %rem3A_303, %ne3A_304 : i32
      %lt3A = arith.constant 0 : i32
      %lt3A_306 = arith.cmpi slt, %rem3A_303, %lt3A : i32
      %lt3A_307 = arith.constant 0 : i32
      %lt3A_308 = arith.cmpi slt, %select_n3A_302, %lt3A_307 : i32
      %ne3A_309 = arith.xori %lt3A_306, %lt3A_308 : i1
      %and3A_310 = arith.andi %ne3A_309, %ne3A_305 : i1
      %add3A_311 = arith.addi %rem3A_303, %select_n3A_302 : i32
      %select_n3A_312 = arith.select %and3A_310, %add3A_311, %rem3A_303 : i32
      %mul3A_313 = arith.constant 16 : i32
      %mul3A_314 = arith.muli %select_n3A_312, %mul3A_313 : i32
      %swap3A = arith.index_cast %select_n3A : i32 to index
      %swap3A_315 = arith.index_cast %mul3A_314 : i32 to index
      %swap3A_316 = tpu.vector_load %arg8[%swap3A, %swap3A_315] {strides = array<i32>} : memref<80x64xf32, #tpu.memory_space<vmem>>, vector<1x16xf32>,
      %swap3A_317 = vector.shape_cast %swap3A_316 : vector<1x16xf32> to vector<16xf32>
      %swap3A_318 = vector.shape_cast %broadcast_in_dim3A_15 : vector<16xf32> to vector<1x16xf32>
      tpu.vector_store %arg8[%swap3A, %swap3A_315], %swap3A_318 {strides = array<i32>} : memref<80x64xf32, #tpu.memory_space<vmem>>, vector<1x16xf32>,
      %scan3A_319 = arith.constant 0 : i32
      scf.yield %scan3A_319 : i32
    }
    %scan3A_21 = arith.constant 320 : i32
    %mul3A = arith.constant 640 : i32
    %mul3A_22 = arith.muli %arg1, %mul3A : i32
    %add3A = arith.constant 0 : i32
    %add3A_23 = arith.addi %mul3A_22, %add3A : i32
    %dma_start3A_24 = arith.constant 0 : i32
    %dma_start3A_25 = tpu.memref_slice %arg16[%add3A_23, %dma_start3A_24] : memref<10240x64xf32, #tpu.memory_space<vmem_shared>> -> memref<80x64xf32, #tpu.memory_space<vmem_shared>>
    %dma_start3A_26 = arith.constant 0 : i32
    %dma_start3A_27 = tpu.memref_slice %arg16[%add3A_23, %dma_start3A_26] : memref<10240x64xf32, #tpu.memory_space<vmem_shared>> -> memref<80x64xf32, #tpu.memory_space<vmem_shared>>
    tpu.enqueue_dma source(%arg8 : memref<80x64xf32, #tpu.memory_space<vmem>>) target(%dma_start3A_27 : memref<80x64xf32, #tpu.memory_space<vmem_shared>>) target_semaphore(%arg19 : memref<!tpu.dma_semaphore, #tpu.memory_space<semaphore_mem>>)
    %mul3A_28 = arith.constant 640 : i32
    %mul3A_29 = arith.muli %arg1, %mul3A_28 : i32
    %add3A_30 = arith.constant 80 : i32
    %add3A_31 = arith.addi %mul3A_29, %add3A_30 : i32
    %dma_start3A_32 = arith.constant 0 : i32
    %dma_start3A_33 = tpu.memref_slice %arg16[%add3A_31, %dma_start3A_32] : memref<10240x64xf32, #tpu.memory_space<vmem_shared>> -> memref<80x64xf32, #tpu.memory_space<vmem_shared>>
    %dma_start3A_34 = arith.constant 0 : i32
    %dma_start3A_35 = tpu.memref_slice %arg16[%add3A_31, %dma_start3A_34] : memref<10240x64xf32, #tpu.memory_space<vmem_shared>> -> memref<80x64xf32, #tpu.memory_space<vmem_shared>>
    tpu.enqueue_dma source(%arg8 : memref<80x64xf32, #tpu.memory_space<vmem>>) target(%dma_start3A_35 : memref<80x64xf32, #tpu.memory_space<vmem_shared>>) target_semaphore(%arg19 : memref<!tpu.dma_semaphore, #tpu.memory_space<semaphore_mem>>)
    %mul3A_36 = arith.constant 640 : i32
    %mul3A_37 = arith.muli %arg1, %mul3A_36 : i32
    %add3A_38 = arith.constant 160 : i32
    %add3A_39 = arith.addi %mul3A_37, %add3A_38 : i32
    %dma_start3A_40 = arith.constant 0 : i32
    %dma_start3A_41 = tpu.memref_slice %arg16[%add3A_39, %dma_start3A_40] : memref<10240x64xf32, #tpu.memory_space<vmem_shared>> -> memref<80x64xf32, #tpu.memory_space<vmem_shared>>
    %dma_start3A_42 = arith.constant 0 : i32
    %dma_start3A_43 = tpu.memref_slice %arg16[%add3A_39, %dma_start3A_42] : memref<10240x64xf32, #tpu.memory_space<vmem_shared>> -> memref<80x64xf32, #tpu.memory_space<vmem_shared>>
    tpu.enqueue_dma source(%arg8 : memref<80x64xf32, #tpu.memory_space<vmem>>) target(%dma_start3A_43 : memref<80x64xf32, #tpu.memory_space<vmem_shared>>) target_semaphore(%arg19 : memref<!tpu.dma_semaphore, #tpu.memory_space<semaphore_mem>>)
    %mul3A_44 = arith.constant 640 : i32
    %mul3A_45 = arith.muli %arg1, %mul3A_44 : i32
    %add3A_46 = arith.constant 240 : i32
    %add3A_47 = arith.addi %mul3A_45, %add3A_46 : i32
    %dma_start3A_48 = arith.constant 0 : i32
    %dma_start3A_49 = tpu.memref_slice %arg16[%add3A_47, %dma_start3A_48] : memref<10240x64xf32, #tpu.memory_space<vmem_shared>> -> memref<80x64xf32, #tpu.memory_space<vmem_shared>>
    %dma_start3A_50 = arith.constant 0 : i32
    %dma_start3A_51 = tpu.memref_slice %arg16[%add3A_47, %dma_start3A_50] : memref<10240x64xf32, #tpu.memory_space<vmem_shared>> -> memref<80x64xf32, #tpu.memory_space<vmem_shared>>
    tpu.enqueue_dma source(%arg8 : memref<80x64xf32, #tpu.memory_space<vmem>>) target(%dma_start3A_51 : memref<80x64xf32, #tpu.memory_space<vmem_shared>>) target_semaphore(%arg19 : memref<!tpu.dma_semaphore, #tpu.memory_space<semaphore_mem>>)
    %mul3A_52 = arith.constant 640 : i32
    %mul3A_53 = arith.muli %arg1, %mul3A_52 : i32
    %add3A_54 = arith.constant 320 : i32
    %add3A_55 = arith.addi %mul3A_53, %add3A_54 : i32
    %dma_start3A_56 = arith.constant 0 : i32
    %dma_start3A_57 = tpu.memref_slice %arg16[%add3A_55, %dma_start3A_56] : memref<10240x64xf32, #tpu.memory_space<vmem_shared>> -> memref<80x64xf32, #tpu.memory_space<vmem_shared>>
    %dma_start3A_58 = arith.constant 0 : i32
    %dma_start3A_59 = tpu.memref_slice %arg16[%add3A_55, %dma_start3A_58] : memref<10240x64xf32, #tpu.memory_space<vmem_shared>> -> memref<80x64xf32, #tpu.memory_space<vmem_shared>>
    tpu.enqueue_dma source(%arg8 : memref<80x64xf32, #tpu.memory_space<vmem>>) target(%dma_start3A_59 : memref<80x64xf32, #tpu.memory_space<vmem_shared>>) target_semaphore(%arg19 : memref<!tpu.dma_semaphore, #tpu.memory_space<semaphore_mem>>)
    %mul3A_60 = arith.constant 640 : i32
    %mul3A_61 = arith.muli %arg1, %mul3A_60 : i32
    %add3A_62 = arith.constant 400 : i32
    %add3A_63 = arith.addi %mul3A_61, %add3A_62 : i32
    %dma_start3A_64 = arith.constant 0 : i32
    %dma_start3A_65 = tpu.memref_slice %arg16[%add3A_63, %dma_start3A_64] : memref<10240x64xf32, #tpu.memory_space<vmem_shared>> -> memref<80x64xf32, #tpu.memory_space<vmem_shared>>
    %dma_start3A_66 = arith.constant 0 : i32
    %dma_start3A_67 = tpu.memref_slice %arg16[%add3A_63, %dma_start3A_66] : memref<10240x64xf32, #tpu.memory_space<vmem_shared>> -> memref<80x64xf32, #tpu.memory_space<vmem_shared>>
    tpu.enqueue_dma source(%arg8 : memref<80x64xf32, #tpu.memory_space<vmem>>) target(%dma_start3A_67 : memref<80x64xf32, #tpu.memory_space<vmem_shared>>) target_semaphore(%arg19 : memref<!tpu.dma_semaphore, #tpu.memory_space<semaphore_mem>>)
    %mul3A_68 = arith.constant 640 : i32
    %mul3A_69 = arith.muli %arg1, %mul3A_68 : i32
    %add3A_70 = arith.constant 480 : i32
    %add3A_71 = arith.addi %mul3A_69, %add3A_70 : i32
    %dma_start3A_72 = arith.constant 0 : i32
    %dma_start3A_73 = tpu.memref_slice %arg16[%add3A_71, %dma_start3A_72] : memref<10240x64xf32, #tpu.memory_space<vmem_shared>> -> memref<80x64xf32, #tpu.memory_space<vmem_shared>>
    %dma_start3A_74 = arith.constant 0 : i32
    %dma_start3A_75 = tpu.memref_slice %arg16[%add3A_71, %dma_start3A_74] : memref<10240x64xf32, #tpu.memory_space<vmem_shared>> -> memref<80x64xf32, #tpu.memory_space<vmem_shared>>
    tpu.enqueue_dma source(%arg8 : memref<80x64xf32, #tpu.memory_space<vmem>>) target(%dma_start3A_75 : memref<80x64xf32, #tpu.memory_space<vmem_shared>>) target_semaphore(%arg19 : memref<!tpu.dma_semaphore, #tpu.memory_space<semaphore_mem>>)
    %mul3A_76 = arith.constant 640 : i32
    %mul3A_77 = arith.muli %arg1, %mul3A_76 : i32
    %add3A_78 = arith.constant 560 : i32
    %add3A_79 = arith.addi %mul3A_77, %add3A_78 : i32
    %dma_start3A_80 = arith.constant 0 : i32
    %dma_start3A_81 = tpu.memref_slice %arg16[%add3A_79, %dma_start3A_80] : memref<10240x64xf32, #tpu.memory_space<vmem_shared>> -> memref<80x64xf32, #tpu.memory_space<vmem_shared>>
    %dma_start3A_82 = arith.constant 0 : i32
    %dma_start3A_83 = tpu.memref_slice %arg16[%add3A_79, %dma_start3A_82] : memref<10240x64xf32, #tpu.memory_space<vmem_shared>> -> memref<80x64xf32, #tpu.memory_space<vmem_shared>>
    tpu.enqueue_dma source(%arg8 : memref<80x64xf32, #tpu.memory_space<vmem>>) target(%dma_start3A_83 : memref<80x64xf32, #tpu.memory_space<vmem_shared>>) target_semaphore(%arg19 : memref<!tpu.dma_semaphore, #tpu.memory_space<semaphore_mem>>)
    %mul3A_84 = arith.constant 640 : i32
    %mul3A_85 = arith.muli %arg1, %mul3A_84 : i32
    %dma_wait3A = arith.constant 0 : i32
    %dma_wait3A_86 = tpu.memref_slice %arg16[%mul3A_85, %dma_wait3A] : memref<10240x64xf32, #tpu.memory_space<vmem_shared>> -> memref<80x64xf32, #tpu.memory_space<vmem_shared>>
    %dma_wait3A_87 = arith.constant 0 : i32
    %dma_wait3A_88 = tpu.memref_slice %arg16[%mul3A_85, %dma_wait3A_87] : memref<10240x64xf32, #tpu.memory_space<vmem_shared>> -> memref<80x64xf32, #tpu.memory_space<vmem_shared>>
    tpu.wait_dma2 semaphore(%arg19 : memref<!tpu.dma_semaphore, #tpu.memory_space<semaphore_mem>>) src(%arg8 : memref<80x64xf32, #tpu.memory_space<vmem>>) dst(%dma_wait3A_88 : memref<80x64xf32, #tpu.memory_space<vmem_shared>>)
    %mul3A_89 = arith.constant 640 : i32
    %mul3A_90 = arith.muli %arg1, %mul3A_89 : i32
    %dma_wait3A_91 = arith.constant 0 : i32
    %dma_wait3A_92 = tpu.memref_slice %arg16[%mul3A_90, %dma_wait3A_91] : memref<10240x64xf32, #tpu.memory_space<vmem_shared>> -> memref<80x64xf32, #tpu.memory_space<vmem_shared>>
    %dma_wait3A_93 = arith.constant 0 : i32
    %dma_wait3A_94 = tpu.memref_slice %arg16[%mul3A_90, %dma_wait3A_93] : memref<10240x64xf32, #tpu.memory_space<vmem_shared>> -> memref<80x64xf32, #tpu.memory_space<vmem_shared>>
    tpu.wait_dma2 semaphore(%arg19 : memref<!tpu.dma_semaphore, #tpu.memory_space<semaphore_mem>>) src(%arg8 : memref<80x64xf32, #tpu.memory_space<vmem>>) dst(%dma_wait3A_94 : memref<80x64xf32, #tpu.memory_space<vmem_shared>>)
    %mul3A_95 = arith.constant 640 : i32
    %mul3A_96 = arith.muli %arg1, %mul3A_95 : i32
    %dma_wait3A_97 = arith.constant 0 : i32
    %dma_wait3A_98 = tpu.memref_slice %arg16[%mul3A_96, %dma_wait3A_97] : memref<10240x64xf32, #tpu.memory_space<vmem_shared>> -> memref<80x64xf32, #tpu.memory_space<vmem_shared>>
    %dma_wait3A_99 = arith.constant 0 : i32
    %dma_wait3A_100 = tpu.memref_slice %arg16[%mul3A_96, %dma_wait3A_99] : memref<10240x64xf32, #tpu.memory_space<vmem_shared>> -> memref<80x64xf32, #tpu.memory_space<vmem_shared>>
    tpu.wait_dma2 semaphore(%arg19 : memref<!tpu.dma_semaphore, #tpu.memory_space<semaphore_mem>>) src(%arg8 : memref<80x64xf32, #tpu.memory_space<vmem>>) dst(%dma_wait3A_100 : memref<80x64xf32, #tpu.memory_space<vmem_shared>>)
    %mul3A_101 = arith.constant 640 : i32
    %mul3A_102 = arith.muli %arg1, %mul3A_101 : i32
    %dma_wait3A_103 = arith.constant 0 : i32
    %dma_wait3A_104 = tpu.memref_slice %arg16[%mul3A_102, %dma_wait3A_103] : memref<10240x64xf32, #tpu.memory_space<vmem_shared>> -> memref<80x64xf32, #tpu.memory_space<vmem_shared>>
    %dma_wait3A_105 = arith.constant 0 : i32
    %dma_wait3A_106 = tpu.memref_slice %arg16[%mul3A_102, %dma_wait3A_105] : memref<10240x64xf32, #tpu.memory_space<vmem_shared>> -> memref<80x64xf32, #tpu.memory_space<vmem_shared>>
    tpu.wait_dma2 semaphore(%arg19 : memref<!tpu.dma_semaphore, #tpu.memory_space<semaphore_mem>>) src(%arg8 : memref<80x64xf32, #tpu.memory_space<vmem>>) dst(%dma_wait3A_106 : memref<80x64xf32, #tpu.memory_space<vmem_shared>>)
    %mul3A_107 = arith.constant 640 : i32
    %mul3A_108 = arith.muli %arg1, %mul3A_107 : i32
    %dma_wait3A_109 = arith.constant 0 : i32
    %dma_wait3A_110 = tpu.memref_slice %arg16[%mul3A_108, %dma_wait3A_109] : memref<10240x64xf32, #tpu.memory_space<vmem_shared>> -> memref<80x64xf32, #tpu.memory_space<vmem_shared>>
    %dma_wait3A_111 = arith.constant 0 : i32
    %dma_wait3A_112 = tpu.memref_slice %arg16[%mul3A_108, %dma_wait3A_111] : memref<10240x64xf32, #tpu.memory_space<vmem_shared>> -> memref<80x64xf32, #tpu.memory_space<vmem_shared>>
    tpu.wait_dma2 semaphore(%arg19 : memref<!tpu.dma_semaphore, #tpu.memory_space<semaphore_mem>>) src(%arg8 : memref<80x64xf32, #tpu.memory_space<vmem>>) dst(%dma_wait3A_112 : memref<80x64xf32, #tpu.memory_space<vmem_shared>>)
    %mul3A_113 = arith.constant 640 : i32
    %mul3A_114 = arith.muli %arg1, %mul3A_113 : i32
    %dma_wait3A_115 = arith.constant 0 : i32
    %dma_wait3A_116 = tpu.memref_slice %arg16[%mul3A_114, %dma_wait3A_115] : memref<10240x64xf32, #tpu.memory_space<vmem_shared>> -> memref<80x64xf32, #tpu.memory_space<vmem_shared>>
    %dma_wait3A_117 = arith.constant 0 : i32
    %dma_wait3A_118 = tpu.memref_slice %arg16[%mul3A_114, %dma_wait3A_117] : memref<10240x64xf32, #tpu.memory_space<vmem_shared>> -> memref<80x64xf32, #tpu.memory_space<vmem_shared>>
    tpu.wait_dma2 semaphore(%arg19 : memref<!tpu.dma_semaphore, #tpu.memory_space<semaphore_mem>>) src(%arg8 : memref<80x64xf32, #tpu.memory_space<vmem>>) dst(%dma_wait3A_118 : memref<80x64xf32, #tpu.memory_space<vmem_shared>>)
    %mul3A_119 = arith.constant 640 : i32
    %mul3A_120 = arith.muli %arg1, %mul3A_119 : i32
    %dma_wait3A_121 = arith.constant 0 : i32
    %dma_wait3A_122 = tpu.memref_slice %arg16[%mul3A_120, %dma_wait3A_121] : memref<10240x64xf32, #tpu.memory_space<vmem_shared>> -> memref<80x64xf32, #tpu.memory_space<vmem_shared>>
    %dma_wait3A_123 = arith.constant 0 : i32
    %dma_wait3A_124 = tpu.memref_slice %arg16[%mul3A_120, %dma_wait3A_123] : memref<10240x64xf32, #tpu.memory_space<vmem_shared>> -> memref<80x64xf32, #tpu.memory_space<vmem_shared>>
    tpu.wait_dma2 semaphore(%arg19 : memref<!tpu.dma_semaphore, #tpu.memory_space<semaphore_mem>>) src(%arg8 : memref<80x64xf32, #tpu.memory_space<vmem>>) dst(%dma_wait3A_124 : memref<80x64xf32, #tpu.memory_space<vmem_shared>>)
    %mul3A_125 = arith.constant 640 : i32
    %mul3A_126 = arith.muli %arg1, %mul3A_125 : i32
    %dma_wait3A_127 = arith.constant 0 : i32
    %dma_wait3A_128 = tpu.memref_slice %arg16[%mul3A_126, %dma_wait3A_127] : memref<10240x64xf32, #tpu.memory_space<vmem_shared>> -> memref<80x64xf32, #tpu.memory_space<vmem_shared>>
    %dma_wait3A_129 = arith.constant 0 : i32
    %dma_wait3A_130 = tpu.memref_slice %arg16[%mul3A_126, %dma_wait3A_129] : memref<10240x64xf32, #tpu.memory_space<vmem_shared>> -> memref<80x64xf32, #tpu.memory_space<vmem_shared>>
    tpu.wait_dma2 semaphore(%arg19 : memref<!tpu.dma_semaphore, #tpu.memory_space<semaphore_mem>>) src(%arg8 : memref<80x64xf32, #tpu.memory_space<vmem>>) dst(%dma_wait3A_130 : memref<80x64xf32, #tpu.memory_space<vmem_shared>>)
    %dma_wait3A_131 = arith.constant 0 : i32
    %dma_wait3A_132 = arith.constant 0 : i32
    %dma_wait3A_133 = tpu.memref_slice %arg2[%arg1, %dma_wait3A_131, %dma_wait3A_132] : memref<16x250x80xi32, #tpu.memory_space<hbm>> -> memref<1x250x80xi32, #tpu.memory_space<hbm>>
    %dma_wait3A_134 = tpu.memref_squeeze %dma_wait3A_133 : memref<1x250x80xi32, #tpu.memory_space<hbm>> -> memref<250x80xi32, #tpu.memory_space<hbm>>
    %dma_wait3A_135 = arith.constant 0 : i32
    %dma_wait3A_136 = arith.constant 0 : i32
    %dma_wait3A_137 = tpu.memref_slice %arg2[%arg1, %dma_wait3A_135, %dma_wait3A_136] : memref<16x250x80xi32, #tpu.memory_space<hbm>> -> memref<1x250x80xi32, #tpu.memory_space<hbm>>
    %dma_wait3A_138 = tpu.memref_squeeze %dma_wait3A_137 : memref<1x250x80xi32, #tpu.memory_space<hbm>> -> memref<250x80xi32, #tpu.memory_space<hbm>>
    tpu.wait_dma2 semaphore(%arg17 : memref<!tpu.dma_semaphore, #tpu.memory_space<semaphore_mem>>) src(%dma_wait3A_138 : memref<250x80xi32, #tpu.memory_space<hbm>>) dst(%arg6 : memref<250x80xi32, #tpu.memory_space<vmem>>)
    %dma_wait3A_139 = arith.constant 0 : i32
    %dma_wait3A_140 = arith.constant 0 : i32
    %dma_wait3A_141 = tpu.memref_slice %arg3[%arg1, %dma_wait3A_139, %dma_wait3A_140] : memref<16x250x80xi32, #tpu.memory_space<hbm>> -> memref<1x250x80xi32, #tpu.memory_space<hbm>>
    %dma_wait3A_142 = tpu.memref_squeeze %dma_wait3A_141 : memref<1x250x80xi32, #tpu.memory_space<hbm>> -> memref<250x80xi32, #tpu.memory_space<hbm>>
    %dma_wait3A_143 = arith.constant 0 : i32
    %dma_wait3A_144 = arith.constant 0 : i32
    %dma_wait3A_145 = tpu.memref_slice %arg3[%arg1, %dma_wait3A_143, %dma_wait3A_144] : memref<16x250x80xi32, #tpu.memory_space<hbm>> -> memref<1x250x80xi32, #tpu.memory_space<hbm>>
    %dma_wait3A_146 = tpu.memref_squeeze %dma_wait3A_145 : memref<1x250x80xi32, #tpu.memory_space<hbm>> -> memref<250x80xi32, #tpu.memory_space<hbm>>
    tpu.wait_dma2 semaphore(%arg18 : memref<!tpu.dma_semaphore, #tpu.memory_space<semaphore_mem>>) src(%dma_wait3A_146 : memref<250x80xi32, #tpu.memory_space<hbm>>) dst(%arg7 : memref<250x80xi32, #tpu.memory_space<vmem>>)
    %dma_start3A_147 = arith.constant 0 : i32
    %dma_start3A_148 = arith.constant 0 : i32
    %dma_start3A_149 = tpu.memref_slice %arg6[%dma_start3A_147, %dma_start3A_148] : memref<250x80xi32, #tpu.memory_space<vmem>> -> memref<1x80xi32, #tpu.memory_space<vmem>>
    %dma_start3A_150 = tpu.memref_squeeze %dma_start3A_149 : memref<1x80xi32, #tpu.memory_space<vmem>> -> memref<80xi32, #tpu.memory_space<vmem>>
    %dma_start3A_151 = arith.constant 0 : i32
    %dma_start3A_152 = arith.constant 0 : i32
    %dma_start3A_153 = tpu.memref_slice %arg4[%arg0, %dma_start3A_151, %dma_start3A_152] : memref<2x10000x64xf32, #tpu.memory_space<hbm>> -> memref<1x10000x64xf32, #tpu.memory_space<hbm>>
    %dma_start3A_154 = tpu.memref_squeeze %dma_start3A_153 : memref<1x10000x64xf32, #tpu.memory_space<hbm>> -> memref<10000x64xf32, #tpu.memory_space<hbm>>
    %dma_start3A_155 = arith.constant 0 : i32
    %dma_start3A_156 = arith.constant 0 : i32
    %dma_start3A_157 = tpu.memref_slice %dma_start3A_154[%dma_start3A_155, %dma_start3A_156] : memref<10000x64xf32, #tpu.memory_space<hbm>> -> memref<10000x64xf32, #tpu.memory_space<hbm>>
    tpu.enqueue_indirect_dma source(%dma_start3A_157 : memref<10000x64xf32, #tpu.memory_space<hbm>>) target(%arg8 : memref<80x64xf32, #tpu.memory_space<vmem>>) offsets(%dma_start3A_150 : memref<80xi32, #tpu.memory_space<vmem>>) semaphore(%arg17 : memref<!tpu.dma_semaphore, #tpu.memory_space<semaphore_mem>>)
    %dma_start3A_158 = arith.constant 1 : i32
    %dma_start3A_159 = arith.constant 0 : i32
    %dma_start3A_160 = tpu.memref_slice %arg6[%dma_start3A_158, %dma_start3A_159] : memref<250x80xi32, #tpu.memory_space<vmem>> -> memref<1x80xi32, #tpu.memory_space<vmem>>
    %dma_start3A_161 = tpu.memref_squeeze %dma_start3A_160 : memref<1x80xi32, #tpu.memory_space<vmem>> -> memref<80xi32, #tpu.memory_space<vmem>>
    %dma_start3A_162 = arith.constant 0 : i32
    %dma_start3A_163 = arith.constant 0 : i32
    %dma_start3A_164 = tpu.memref_slice %arg4[%arg0, %dma_start3A_162, %dma_start3A_163] : memref<2x10000x64xf32, #tpu.memory_space<hbm>> -> memref<1x10000x64xf32, #tpu.memory_space<hbm>>
    %dma_start3A_165 = tpu.memref_squeeze %dma_start3A_164 : memref<1x10000x64xf32, #tpu.memory_space<hbm>> -> memref<10000x64xf32, #tpu.memory_space<hbm>>
    %dma_start3A_166 = arith.constant 0 : i32
    %dma_start3A_167 = arith.constant 0 : i32
    %dma_start3A_168 = tpu.memref_slice %dma_start3A_165[%dma_start3A_166, %dma_start3A_167] : memref<10000x64xf32, #tpu.memory_space<hbm>> -> memref<10000x64xf32, #tpu.memory_space<hbm>>
    tpu.enqueue_indirect_dma source(%dma_start3A_168 : memref<10000x64xf32, #tpu.memory_space<hbm>>) target(%arg9 : memref<80x64xf32, #tpu.memory_space<vmem>>) offsets(%dma_start3A_161 : memref<80xi32, #tpu.memory_space<vmem>>) semaphore(%arg18 : memref<!tpu.dma_semaphore, #tpu.memory_space<semaphore_mem>>)
    %dma_start3A_169 = arith.constant 2 : i32
    %dma_start3A_170 = arith.constant 0 : i32
    %dma_start3A_171 = tpu.memref_slice %arg6[%dma_start3A_169, %dma_start3A_170] : memref<250x80xi32, #tpu.memory_space<vmem>> -> memref<1x80xi32, #tpu.memory_space<vmem>>
    %dma_start3A_172 = tpu.memref_squeeze %dma_start3A_171 : memref<1x80xi32, #tpu.memory_space<vmem>> -> memref<80xi32, #tpu.memory_space<vmem>>
    %dma_start3A_173 = arith.constant 0 : i32
    %dma_start3A_174 = arith.constant 0 : i32
    %dma_start3A_175 = tpu.memref_slice %arg4[%arg0, %dma_start3A_173, %dma_start3A_174] : memref<2x10000x64xf32, #tpu.memory_space<hbm>> -> memref<1x10000x64xf32, #tpu.memory_space<hbm>>
    %dma_start3A_176 = tpu.memref_squeeze %dma_start3A_175 : memref<1x10000x64xf32, #tpu.memory_space<hbm>> -> memref<10000x64xf32, #tpu.memory_space<hbm>>
    %dma_start3A_177 = arith.constant 0 : i32
    %dma_start3A_178 = arith.constant 0 : i32
    %dma_start3A_179 = tpu.memref_slice %dma_start3A_176[%dma_start3A_177, %dma_start3A_178] : memref<10000x64xf32, #tpu.memory_space<hbm>> -> memref<10000x64xf32, #tpu.memory_space<hbm>>
    tpu.enqueue_indirect_dma source(%dma_start3A_179 : memref<10000x64xf32, #tpu.memory_space<hbm>>) target(%arg10 : memref<80x64xf32, #tpu.memory_space<vmem>>) offsets(%dma_start3A_172 : memref<80xi32, #tpu.memory_space<vmem>>) semaphore(%arg19 : memref<!tpu.dma_semaphore, #tpu.memory_space<semaphore_mem>>)
    %dma_start3A_180 = arith.constant 3 : i32
    %dma_start3A_181 = arith.constant 0 : i32
    %dma_start3A_182 = tpu.memref_slice %arg6[%dma_start3A_180, %dma_start3A_181] : memref<250x80xi32, #tpu.memory_space<vmem>> -> memref<1x80xi32, #tpu.memory_space<vmem>>
    %dma_start3A_183 = tpu.memref_squeeze %dma_start3A_182 : memref<1x80xi32, #tpu.memory_space<vmem>> -> memref<80xi32, #tpu.memory_space<vmem>>
    %dma_start3A_184 = arith.constant 0 : i32
    %dma_start3A_185 = arith.constant 0 : i32
    %dma_start3A_186 = tpu.memref_slice %arg4[%arg0, %dma_start3A_184, %dma_start3A_185] : memref<2x10000x64xf32, #tpu.memory_space<hbm>> -> memref<1x10000x64xf32, #tpu.memory_space<hbm>>
    %dma_start3A_187 = tpu.memref_squeeze %dma_start3A_186 : memref<1x10000x64xf32, #tpu.memory_space<hbm>> -> memref<10000x64xf32, #tpu.memory_space<hbm>>
    %dma_start3A_188 = arith.constant 0 : i32
    %dma_start3A_189 = arith.constant 0 : i32
    %dma_start3A_190 = tpu.memref_slice %dma_start3A_187[%dma_start3A_188, %dma_start3A_189] : memref<10000x64xf32, #tpu.memory_space<hbm>> -> memref<10000x64xf32, #tpu.memory_space<hbm>>
    tpu.enqueue_indirect_dma source(%dma_start3A_190 : memref<10000x64xf32, #tpu.memory_space<hbm>>) target(%arg11 : memref<80x64xf32, #tpu.memory_space<vmem>>) offsets(%dma_start3A_183 : memref<80xi32, #tpu.memory_space<vmem>>) semaphore(%arg20 : memref<!tpu.dma_semaphore, #tpu.memory_space<semaphore_mem>>)
    %barrier3A = arith.constant 0 : index
    tpu.barrier barrier_id(%barrier3A)
    %scan3A_191 = arith.constant 0 : i32
    %scan3A_192 = arith.constant 0 : i32
    %scan3A_193 = arith.constant 31 : i32
    %scan3A_194 = arith.addi %scan3A_192, %scan3A_193 : i32
    %scan3A_195 = arith.constant 1 : i32
    %scan3A_196 = scf.for %scan3A_281 = %scan3A_192 to %scan3A_194 step %scan3A_195 iter_args(%scan3A_282 = %scan3A_191) -> (i32)  : i32 {
      %mul3A_283 = arith.constant 2 : i32
      %mul3A_284 = arith.muli %scan3A_281, %mul3A_283 : i32
      %mul3A_285 = arith.constant 4 : i32
      %mul3A_286 = arith.muli %mul3A_284, %mul3A_285 : i32
      %gt3A = arith.constant 0 : i32
      %gt3A_287 = arith.cmpi sgt, %scan3A_281, %gt3A : i32
      %convert_element_type3A = arith.extui %gt3A_287 : i1 to i32
      %cond3A = arith.constant 0 : i32
      %cond3A_288 = arith.cmpi ne, %convert_element_type3A, %cond3A : i32
      scf.if %cond3A_288 {
        %dma_wait3A_569 = arith.constant 0 : i32
        %dma_wait3A_570 = arith.constant 0 : i32
        %dma_wait3A_571 = tpu.memref_slice %arg7[%dma_wait3A_569, %dma_wait3A_570] : memref<250x80xi32, #tpu.memory_space<vmem>> -> memref<1x80xi32, #tpu.memory_space<vmem>>
        %dma_wait3A_572 = tpu.memref_squeeze %dma_wait3A_571 : memref<1x80xi32, #tpu.memory_space<vmem>> -> memref<80xi32, #tpu.memory_space<vmem>>
        %dma_wait3A_573 = arith.constant 0 : i32
        %dma_wait3A_574 = arith.constant 0 : i32
        %dma_wait3A_575 = tpu.memref_slice %arg16[%dma_wait3A_573, %dma_wait3A_574] : memref<10240x64xf32, #tpu.memory_space<vmem_shared>> -> memref<10240x64xf32, #tpu.memory_space<vmem_shared>>
        tpu.wait_indirect_dma semaphore(%arg21 : memref<!tpu.dma_semaphore, #tpu.memory_space<semaphore_mem>>) src(%arg12 : memref<80x64xf32, #tpu.memory_space<vmem>>) dst(%dma_wait3A_575 : memref<10240x64xf32, #tpu.memory_space<vmem_shared>>)
        %dma_wait3A_576 = arith.constant 0 : i32
        %dma_wait3A_577 = arith.constant 0 : i32
        %dma_wait3A_578 = tpu.memref_slice %arg7[%dma_wait3A_576, %dma_wait3A_577] : memref<250x80xi32, #tpu.memory_space<vmem>> -> memref<1x80xi32, #tpu.memory_space<vmem>>
        %dma_wait3A_579 = tpu.memref_squeeze %dma_wait3A_578 : memref<1x80xi32, #tpu.memory_space<vmem>> -> memref<80xi32, #tpu.memory_space<vmem>>
        %dma_wait3A_580 = arith.constant 0 : i32
        %dma_wait3A_581 = arith.constant 0 : i32
        %dma_wait3A_582 = tpu.memref_slice %arg16[%dma_wait3A_580, %dma_wait3A_581] : memref<10240x64xf32, #tpu.memory_space<vmem_shared>> -> memref<10240x64xf32, #tpu.memory_space<vmem_shared>>
        tpu.wait_indirect_dma semaphore(%arg22 : memref<!tpu.dma_semaphore, #tpu.memory_space<semaphore_mem>>) src(%arg13 : memref<80x64xf32, #tpu.memory_space<vmem>>) dst(%dma_wait3A_582 : memref<10240x64xf32, #tpu.memory_space<vmem_shared>>)
        %dma_wait3A_583 = arith.constant 0 : i32
        %dma_wait3A_584 = arith.constant 0 : i32
        %dma_wait3A_585 = tpu.memref_slice %arg7[%dma_wait3A_583, %dma_wait3A_584] : memref<250x80xi32, #tpu.memory_space<vmem>> -> memref<1x80xi32, #tpu.memory_space<vmem>>
        %dma_wait3A_586 = tpu.memref_squeeze %dma_wait3A_585 : memref<1x80xi32, #tpu.memory_space<vmem>> -> memref<80xi32, #tpu.memory_space<vmem>>
        %dma_wait3A_587 = arith.constant 0 : i32
        %dma_wait3A_588 = arith.constant 0 : i32
        %dma_wait3A_589 = tpu.memref_slice %arg16[%dma_wait3A_587, %dma_wait3A_588] : memref<10240x64xf32, #tpu.memory_space<vmem_shared>> -> memref<10240x64xf32, #tpu.memory_space<vmem_shared>>
        tpu.wait_indirect_dma semaphore(%arg23 : memref<!tpu.dma_semaphore, #tpu.memory_space<semaphore_mem>>) src(%arg14 : memref<80x64xf32, #tpu.memory_space<vmem>>) dst(%dma_wait3A_589 : memref<10240x64xf32, #tpu.memory_space<vmem_shared>>)
        %dma_wait3A_590 = arith.constant 0 : i32
        %dma_wait3A_591 = arith.constant 0 : i32
        %dma_wait3A_592 = tpu.memref_slice %arg7[%dma_wait3A_590, %dma_wait3A_591] : memref<250x80xi32, #tpu.memory_space<vmem>> -> memref<1x80xi32, #tpu.memory_space<vmem>>
        %dma_wait3A_593 = tpu.memref_squeeze %dma_wait3A_592 : memref<1x80xi32, #tpu.memory_space<vmem>> -> memref<80xi32, #tpu.memory_space<vmem>>
        %dma_wait3A_594 = arith.constant 0 : i32
        %dma_wait3A_595 = arith.constant 0 : i32
        %dma_wait3A_596 = tpu.memref_slice %arg16[%dma_wait3A_594, %dma_wait3A_595] : memref<10240x64xf32, #tpu.memory_space<vmem_shared>> -> memref<10240x64xf32, #tpu.memory_space<vmem_shared>>
        tpu.wait_indirect_dma semaphore(%arg24 : memref<!tpu.dma_semaphore, #tpu.memory_space<semaphore_mem>>) src(%arg15 : memref<80x64xf32, #tpu.memory_space<vmem>>) dst(%dma_wait3A_596 : memref<10240x64xf32, #tpu.memory_space<vmem_shared>>)
      } else {
      }
      %add3A_289 = arith.constant 4 : i32
      %add3A_290 = arith.addi %mul3A_286, %add3A_289 : i32
      %add3A_291 = arith.constant 0 : i32
      %add3A_292 = arith.addi %add3A_290, %add3A_291 : i32
      %dma_start3A_293 = arith.constant 0 : i32
      %dma_start3A_294 = tpu.memref_slice %arg6[%add3A_292, %dma_start3A_293] : memref<250x80xi32, #tpu.memory_space<vmem>> -> memref<1x80xi32, #tpu.memory_space<vmem>>
      %dma_start3A_295 = tpu.memref_squeeze %dma_start3A_294 : memref<1x80xi32, #tpu.memory_space<vmem>> -> memref<80xi32, #tpu.memory_space<vmem>>
      %dma_start3A_296 = arith.constant 0 : i32
      %dma_start3A_297 = arith.constant 0 : i32
      %dma_start3A_298 = tpu.memref_slice %arg4[%arg0, %dma_start3A_296, %dma_start3A_297] : memref<2x10000x64xf32, #tpu.memory_space<hbm>> -> memref<1x10000x64xf32, #tpu.memory_space<hbm>>
      %dma_start3A_299 = tpu.memref_squeeze %dma_start3A_298 : memref<1x10000x64xf32, #tpu.memory_space<hbm>> -> memref<10000x64xf32, #tpu.memory_space<hbm>>
      %dma_start3A_300 = arith.constant 0 : i32
      %dma_start3A_301 = arith.constant 0 : i32
      %dma_start3A_302 = tpu.memref_slice %dma_start3A_299[%dma_start3A_300, %dma_start3A_301] : memref<10000x64xf32, #tpu.memory_space<hbm>> -> memref<10000x64xf32, #tpu.memory_space<hbm>>
      tpu.enqueue_indirect_dma source(%dma_start3A_302 : memref<10000x64xf32, #tpu.memory_space<hbm>>) target(%arg12 : memref<80x64xf32, #tpu.memory_space<vmem>>) offsets(%dma_start3A_295 : memref<80xi32, #tpu.memory_space<vmem>>) semaphore(%arg21 : memref<!tpu.dma_semaphore, #tpu.memory_space<semaphore_mem>>)
      %add3A_303 = arith.constant 4 : i32
      %add3A_304 = arith.addi %mul3A_286, %add3A_303 : i32
      %add3A_305 = arith.constant 1 : i32
      %add3A_306 = arith.addi %add3A_304, %add3A_305 : i32
      %dma_start3A_307 = arith.constant 0 : i32
      %dma_start3A_308 = tpu.memref_slice %arg6[%add3A_306, %dma_start3A_307] : memref<250x80xi32, #tpu.memory_space<vmem>> -> memref<1x80xi32, #tpu.memory_space<vmem>>
      %dma_start3A_309 = tpu.memref_squeeze %dma_start3A_308 : memref<1x80xi32, #tpu.memory_space<vmem>> -> memref<80xi32, #tpu.memory_space<vmem>>
      %dma_start3A_310 = arith.constant 0 : i32
      %dma_start3A_311 = arith.constant 0 : i32
      %dma_start3A_312 = tpu.memref_slice %arg4[%arg0, %dma_start3A_310, %dma_start3A_311] : memref<2x10000x64xf32, #tpu.memory_space<hbm>> -> memref<1x10000x64xf32, #tpu.memory_space<hbm>>
      %dma_start3A_313 = tpu.memref_squeeze %dma_start3A_312 : memref<1x10000x64xf32, #tpu.memory_space<hbm>> -> memref<10000x64xf32, #tpu.memory_space<hbm>>
      %dma_start3A_314 = arith.constant 0 : i32
      %dma_start3A_315 = arith.constant 0 : i32
      %dma_start3A_316 = tpu.memref_slice %dma_start3A_313[%dma_start3A_314, %dma_start3A_315] : memref<10000x64xf32, #tpu.memory_space<hbm>> -> memref<10000x64xf32, #tpu.memory_space<hbm>>
      tpu.enqueue_indirect_dma source(%dma_start3A_316 : memref<10000x64xf32, #tpu.memory_space<hbm>>) target(%arg13 : memref<80x64xf32, #tpu.memory_space<vmem>>) offsets(%dma_start3A_309 : memref<80xi32, #tpu.memory_space<vmem>>) semaphore(%arg22 : memref<!tpu.dma_semaphore, #tpu.memory_space<semaphore_mem>>)
      %add3A_317 = arith.constant 4 : i32
      %add3A_318 = arith.addi %mul3A_286, %add3A_317 : i32
      %add3A_319 = arith.constant 2 : i32
      %add3A_320 = arith.addi %add3A_318, %add3A_319 : i32
      %dma_start3A_321 = arith.constant 0 : i32
      %dma_start3A_322 = tpu.memref_slice %arg6[%add3A_320, %dma_start3A_321] : memref<250x80xi32, #tpu.memory_space<vmem>> -> memref<1x80xi32, #tpu.memory_space<vmem>>
      %dma_start3A_323 = tpu.memref_squeeze %dma_start3A_322 : memref<1x80xi32, #tpu.memory_space<vmem>> -> memref<80xi32, #tpu.memory_space<vmem>>
      %dma_start3A_324 = arith.constant 0 : i32
      %dma_start3A_325 = arith.constant 0 : i32
      %dma_start3A_326 = tpu.memref_slice %arg4[%arg0, %dma_start3A_324, %dma_start3A_325] : memref<2x10000x64xf32, #tpu.memory_space<hbm>> -> memref<1x10000x64xf32, #tpu.memory_space<hbm>>
      %dma_start3A_327 = tpu.memref_squeeze %dma_start3A_326 : memref<1x10000x64xf32, #tpu.memory_space<hbm>> -> memref<10000x64xf32, #tpu.memory_space<hbm>>
      %dma_start3A_328 = arith.constant 0 : i32
      %dma_start3A_329 = arith.constant 0 : i32
      %dma_start3A_330 = tpu.memref_slice %dma_start3A_327[%dma_start3A_328, %dma_start3A_329] : memref<10000x64xf32, #tpu.memory_space<hbm>> -> memref<10000x64xf32, #tpu.memory_space<hbm>>
      tpu.enqueue_indirect_dma source(%dma_start3A_330 : memref<10000x64xf32, #tpu.memory_space<hbm>>) target(%arg14 : memref<80x64xf32, #tpu.memory_space<vmem>>) offsets(%dma_start3A_323 : memref<80xi32, #tpu.memory_space<vmem>>) semaphore(%arg23 : memref<!tpu.dma_semaphore, #tpu.memory_space<semaphore_mem>>)
      %add3A_331 = arith.constant 4 : i32
      %add3A_332 = arith.addi %mul3A_286, %add3A_331 : i32
      %add3A_333 = arith.constant 3 : i32
      %add3A_334 = arith.addi %add3A_332, %add3A_333 : i32
      %dma_start3A_335 = arith.constant 0 : i32
      %dma_start3A_336 = tpu.memref_slice %arg6[%add3A_334, %dma_start3A_335] : memref<250x80xi32, #tpu.memory_space<vmem>> -> memref<1x80xi32, #tpu.memory_space<vmem>>
      %dma_start3A_337 = tpu.memref_squeeze %dma_start3A_336 : memref<1x80xi32, #tpu.memory_space<vmem>> -> memref<80xi32, #tpu.memory_space<vmem>>
      %dma_start3A_338 = arith.constant 0 : i32
      %dma_start3A_339 = arith.constant 0 : i32
      %dma_start3A_340 = tpu.memref_slice %arg4[%arg0, %dma_start3A_338, %dma_start3A_339] : memref<2x10000x64xf32, #tpu.memory_space<hbm>> -> memref<1x10000x64xf32, #tpu.memory_space<hbm>>
      %dma_start3A_341 = tpu.memref_squeeze %dma_start3A_340 : memref<1x10000x64xf32, #tpu.memory_space<hbm>> -> memref<10000x64xf32, #tpu.memory_space<hbm>>
      %dma_start3A_342 = arith.constant 0 : i32
      %dma_start3A_343 = arith.constant 0 : i32
      %dma_start3A_344 = tpu.memref_slice %dma_start3A_341[%dma_start3A_342, %dma_start3A_343] : memref<10000x64xf32, #tpu.memory_space<hbm>> -> memref<10000x64xf32, #tpu.memory_space<hbm>>
      tpu.enqueue_indirect_dma source(%dma_start3A_344 : memref<10000x64xf32, #tpu.memory_space<hbm>>) target(%arg15 : memref<80x64xf32, #tpu.memory_space<vmem>>) offsets(%dma_start3A_337 : memref<80xi32, #tpu.memory_space<vmem>>) semaphore(%arg24 : memref<!tpu.dma_semaphore, #tpu.memory_space<semaphore_mem>>)
      %dma_wait3A_345 = arith.constant 0 : i32
      %dma_wait3A_346 = arith.constant 0 : i32
      %dma_wait3A_347 = tpu.memref_slice %arg6[%dma_wait3A_345, %dma_wait3A_346] : memref<250x80xi32, #tpu.memory_space<vmem>> -> memref<1x80xi32, #tpu.memory_space<vmem>>
      %dma_wait3A_348 = tpu.memref_squeeze %dma_wait3A_347 : memref<1x80xi32, #tpu.memory_space<vmem>> -> memref<80xi32, #tpu.memory_space<vmem>>
      %dma_wait3A_349 = arith.constant 0 : i32
      %dma_wait3A_350 = arith.constant 0 : i32
      %dma_wait3A_351 = tpu.memref_slice %arg4[%arg0, %dma_wait3A_349, %dma_wait3A_350] : memref<2x10000x64xf32, #tpu.memory_space<hbm>> -> memref<1x10000x64xf32, #tpu.memory_space<hbm>>
      %dma_wait3A_352 = tpu.memref_squeeze %dma_wait3A_351 : memref<1x10000x64xf32, #tpu.memory_space<hbm>> -> memref<10000x64xf32, #tpu.memory_space<hbm>>
      %dma_wait3A_353 = arith.constant 0 : i32
      %dma_wait3A_354 = arith.constant 0 : i32
      %dma_wait3A_355 = tpu.memref_slice %dma_wait3A_352[%dma_wait3A_353, %dma_wait3A_354] : memref<10000x64xf32, #tpu.memory_space<hbm>> -> memref<10000x64xf32, #tpu.memory_space<hbm>>
      tpu.wait_indirect_dma semaphore(%arg17 : memref<!tpu.dma_semaphore, #tpu.memory_space<semaphore_mem>>) src(%dma_wait3A_355 : memref<10000x64xf32, #tpu.memory_space<hbm>>) dst(%arg8 : memref<80x64xf32, #tpu.memory_space<vmem>>)
      %add3A_356 = arith.constant 0 : i32
      %add3A_357 = arith.addi %mul3A_286, %add3A_356 : i32
      %dma_start3A_358 = arith.constant 0 : i32
      %dma_start3A_359 = tpu.memref_slice %arg7[%add3A_357, %dma_start3A_358] : memref<250x80xi32, #tpu.memory_space<vmem>> -> memref<1x80xi32, #tpu.memory_space<vmem>>
      %dma_start3A_360 = tpu.memref_squeeze %dma_start3A_359 : memref<1x80xi32, #tpu.memory_space<vmem>> -> memref<80xi32, #tpu.memory_space<vmem>>
      %dma_start3A_361 = arith.constant 0 : i32
      %dma_start3A_362 = arith.constant 0 : i32
      %dma_start3A_363 = tpu.memref_slice %arg16[%dma_start3A_361, %dma_start3A_362] : memref<10240x64xf32, #tpu.memory_space<vmem_shared>> -> memref<10240x64xf32, #tpu.memory_space<vmem_shared>>
      tpu.enqueue_indirect_dma source(%arg8 : memref<80x64xf32, #tpu.memory_space<vmem>>) target(%dma_start3A_363 : memref<10240x64xf32, #tpu.memory_space<vmem_shared>>) offsets(%dma_start3A_360 : memref<80xi32, #tpu.memory_space<vmem>>) semaphore(%arg17 : memref<!tpu.dma_semaphore, #tpu.memory_space<semaphore_mem>>) {add = true}
      %dma_wait3A_364 = arith.constant 0 : i32
      %dma_wait3A_365 = arith.constant 0 : i32
      %dma_wait3A_366 = tpu.memref_slice %arg6[%dma_wait3A_364, %dma_wait3A_365] : memref<250x80xi32, #tpu.memory_space<vmem>> -> memref<1x80xi32, #tpu.memory_space<vmem>>
      %dma_wait3A_367 = tpu.memref_squeeze %dma_wait3A_366 : memref<1x80xi32, #tpu.memory_space<vmem>> -> memref<80xi32, #tpu.memory_space<vmem>>
      %dma_wait3A_368 = arith.constant 0 : i32
      %dma_wait3A_369 = arith.constant 0 : i32
      %dma_wait3A_370 = tpu.memref_slice %arg4[%arg0, %dma_wait3A_368, %dma_wait3A_369] : memref<2x10000x64xf32, #tpu.memory_space<hbm>> -> memref<1x10000x64xf32, #tpu.memory_space<hbm>>
      %dma_wait3A_371 = tpu.memref_squeeze %dma_wait3A_370 : memref<1x10000x64xf32, #tpu.memory_space<hbm>> -> memref<10000x64xf32, #tpu.memory_space<hbm>>
      %dma_wait3A_372 = arith.constant 0 : i32
      %dma_wait3A_373 = arith.constant 0 : i32
      %dma_wait3A_374 = tpu.memref_slice %dma_wait3A_371[%dma_wait3A_372, %dma_wait3A_373] : memref<10000x64xf32, #tpu.memory_space<hbm>> -> memref<10000x64xf32, #tpu.memory_space<hbm>>
      tpu.wait_indirect_dma semaphore(%arg18 : memref<!tpu.dma_semaphore, #tpu.memory_space<semaphore_mem>>) src(%dma_wait3A_374 : memref<10000x64xf32, #tpu.memory_space<hbm>>) dst(%arg9 : memref<80x64xf32, #tpu.memory_space<vmem>>)
      %add3A_375 = arith.constant 1 : i32
      %add3A_376 = arith.addi %mul3A_286, %add3A_375 : i32
      %dma_start3A_377 = arith.constant 0 : i32
      %dma_start3A_378 = tpu.memref_slice %arg7[%add3A_376, %dma_start3A_377] : memref<250x80xi32, #tpu.memory_space<vmem>> -> memref<1x80xi32, #tpu.memory_space<vmem>>
      %dma_start3A_379 = tpu.memref_squeeze %dma_start3A_378 : memref<1x80xi32, #tpu.memory_space<vmem>> -> memref<80xi32, #tpu.memory_space<vmem>>
      %dma_start3A_380 = arith.constant 0 : i32
      %dma_start3A_381 = arith.constant 0 : i32
      %dma_start3A_382 = tpu.memref_slice %arg16[%dma_start3A_380, %dma_start3A_381] : memref<10240x64xf32, #tpu.memory_space<vmem_shared>> -> memref<10240x64xf32, #tpu.memory_space<vmem_shared>>
      tpu.enqueue_indirect_dma source(%arg9 : memref<80x64xf32, #tpu.memory_space<vmem>>) target(%dma_start3A_382 : memref<10240x64xf32, #tpu.memory_space<vmem_shared>>) offsets(%dma_start3A_379 : memref<80xi32, #tpu.memory_space<vmem>>) semaphore(%arg18 : memref<!tpu.dma_semaphore, #tpu.memory_space<semaphore_mem>>) {add = true}
      %dma_wait3A_383 = arith.constant 0 : i32
      %dma_wait3A_384 = arith.constant 0 : i32
      %dma_wait3A_385 = tpu.memref_slice %arg6[%dma_wait3A_383, %dma_wait3A_384] : memref<250x80xi32, #tpu.memory_space<vmem>> -> memref<1x80xi32, #tpu.memory_space<vmem>>
      %dma_wait3A_386 = tpu.memref_squeeze %dma_wait3A_385 : memref<1x80xi32, #tpu.memory_space<vmem>> -> memref<80xi32, #tpu.memory_space<vmem>>
      %dma_wait3A_387 = arith.constant 0 : i32
      %dma_wait3A_388 = arith.constant 0 : i32
      %dma_wait3A_389 = tpu.memref_slice %arg4[%arg0, %dma_wait3A_387, %dma_wait3A_388] : memref<2x10000x64xf32, #tpu.memory_space<hbm>> -> memref<1x10000x64xf32, #tpu.memory_space<hbm>>
      %dma_wait3A_390 = tpu.memref_squeeze %dma_wait3A_389 : memref<1x10000x64xf32, #tpu.memory_space<hbm>> -> memref<10000x64xf32, #tpu.memory_space<hbm>>
      %dma_wait3A_391 = arith.constant 0 : i32
      %dma_wait3A_392 = arith.constant 0 : i32
      %dma_wait3A_393 = tpu.memref_slice %dma_wait3A_390[%dma_wait3A_391, %dma_wait3A_392] : memref<10000x64xf32, #tpu.memory_space<hbm>> -> memref<10000x64xf32, #tpu.memory_space<hbm>>
      tpu.wait_indirect_dma semaphore(%arg19 : memref<!tpu.dma_semaphore, #tpu.memory_space<semaphore_mem>>) src(%dma_wait3A_393 : memref<10000x64xf32, #tpu.memory_space<hbm>>) dst(%arg10 : memref<80x64xf32, #tpu.memory_space<vmem>>)
      %add3A_394 = arith.constant 2 : i32
      %add3A_395 = arith.addi %mul3A_286, %add3A_394 : i32
      %dma_start3A_396 = arith.constant 0 : i32
      %dma_start3A_397 = tpu.memref_slice %arg7[%add3A_395, %dma_start3A_396] : memref<250x80xi32, #tpu.memory_space<vmem>> -> memref<1x80xi32, #tpu.memory_space<vmem>>
      %dma_start3A_398 = tpu.memref_squeeze %dma_start3A_397 : memref<1x80xi32, #tpu.memory_space<vmem>> -> memref<80xi32, #tpu.memory_space<vmem>>
      %dma_start3A_399 = arith.constant 0 : i32
      %dma_start3A_400 = arith.constant 0 : i32
      %dma_start3A_401 = tpu.memref_slice %arg16[%dma_start3A_399, %dma_start3A_400] : memref<10240x64xf32, #tpu.memory_space<vmem_shared>> -> memref<10240x64xf32, #tpu.memory_space<vmem_shared>>
      tpu.enqueue_indirect_dma source(%arg10 : memref<80x64xf32, #tpu.memory_space<vmem>>) target(%dma_start3A_401 : memref<10240x64xf32, #tpu.memory_space<vmem_shared>>) offsets(%dma_start3A_398 : memref<80xi32, #tpu.memory_space<vmem>>) semaphore(%arg19 : memref<!tpu.dma_semaphore, #tpu.memory_space<semaphore_mem>>) {add = true}
      %dma_wait3A_402 = arith.constant 0 : i32
      %dma_wait3A_403 = arith.constant 0 : i32
      %dma_wait3A_404 = tpu.memref_slice %arg6[%dma_wait3A_402, %dma_wait3A_403] : memref<250x80xi32, #tpu.memory_space<vmem>> -> memref<1x80xi32, #tpu.memory_space<vmem>>
      %dma_wait3A_405 = tpu.memref_squeeze %dma_wait3A_404 : memref<1x80xi32, #tpu.memory_space<vmem>> -> memref<80xi32, #tpu.memory_space<vmem>>
      %dma_wait3A_406 = arith.constant 0 : i32
      %dma_wait3A_407 = arith.constant 0 : i32
      %dma_wait3A_408 = tpu.memref_slice %arg4[%arg0, %dma_wait3A_406, %dma_wait3A_407] : memref<2x10000x64xf32, #tpu.memory_space<hbm>> -> memref<1x10000x64xf32, #tpu.memory_space<hbm>>
      %dma_wait3A_409 = tpu.memref_squeeze %dma_wait3A_408 : memref<1x10000x64xf32, #tpu.memory_space<hbm>> -> memref<10000x64xf32, #tpu.memory_space<hbm>>
      %dma_wait3A_410 = arith.constant 0 : i32
      %dma_wait3A_411 = arith.constant 0 : i32
      %dma_wait3A_412 = tpu.memref_slice %dma_wait3A_409[%dma_wait3A_410, %dma_wait3A_411] : memref<10000x64xf32, #tpu.memory_space<hbm>> -> memref<10000x64xf32, #tpu.memory_space<hbm>>
      tpu.wait_indirect_dma semaphore(%arg20 : memref<!tpu.dma_semaphore, #tpu.memory_space<semaphore_mem>>) src(%dma_wait3A_412 : memref<10000x64xf32, #tpu.memory_space<hbm>>) dst(%arg11 : memref<80x64xf32, #tpu.memory_space<vmem>>)
      %add3A_413 = arith.constant 3 : i32
      %add3A_414 = arith.addi %mul3A_286, %add3A_413 : i32
      %dma_start3A_415 = arith.constant 0 : i32
      %dma_start3A_416 = tpu.memref_slice %arg7[%add3A_414, %dma_start3A_415] : memref<250x80xi32, #tpu.memory_space<vmem>> -> memref<1x80xi32, #tpu.memory_space<vmem>>
      %dma_start3A_417 = tpu.memref_squeeze %dma_start3A_416 : memref<1x80xi32, #tpu.memory_space<vmem>> -> memref<80xi32, #tpu.memory_space<vmem>>
      %dma_start3A_418 = arith.constant 0 : i32
      %dma_start3A_419 = arith.constant 0 : i32
      %dma_start3A_420 = tpu.memref_slice %arg16[%dma_start3A_418, %dma_start3A_419] : memref<10240x64xf32, #tpu.memory_space<vmem_shared>> -> memref<10240x64xf32, #tpu.memory_space<vmem_shared>>
      tpu.enqueue_indirect_dma source(%arg11 : memref<80x64xf32, #tpu.memory_space<vmem>>) target(%dma_start3A_420 : memref<10240x64xf32, #tpu.memory_space<vmem_shared>>) offsets(%dma_start3A_417 : memref<80xi32, #tpu.memory_space<vmem>>) semaphore(%arg20 : memref<!tpu.dma_semaphore, #tpu.memory_space<semaphore_mem>>) {add = true}
      %dma_wait3A_421 = arith.constant 0 : i32
      %dma_wait3A_422 = arith.constant 0 : i32
      %dma_wait3A_423 = tpu.memref_slice %arg7[%dma_wait3A_421, %dma_wait3A_422] : memref<250x80xi32, #tpu.memory_space<vmem>> -> memref<1x80xi32, #tpu.memory_space<vmem>>
      %dma_wait3A_424 = tpu.memref_squeeze %dma_wait3A_423 : memref<1x80xi32, #tpu.memory_space<vmem>> -> memref<80xi32, #tpu.memory_space<vmem>>
      %dma_wait3A_425 = arith.constant 0 : i32
      %dma_wait3A_426 = arith.constant 0 : i32
      %dma_wait3A_427 = tpu.memref_slice %arg16[%dma_wait3A_425, %dma_wait3A_426] : memref<10240x64xf32, #tpu.memory_space<vmem_shared>> -> memref<10240x64xf32, #tpu.memory_space<vmem_shared>>
      tpu.wait_indirect_dma semaphore(%arg17 : memref<!tpu.dma_semaphore, #tpu.memory_space<semaphore_mem>>) src(%arg8 : memref<80x64xf32, #tpu.memory_space<vmem>>) dst(%dma_wait3A_427 : memref<10240x64xf32, #tpu.memory_space<vmem_shared>>)
      %dma_wait3A_428 = arith.constant 0 : i32
      %dma_wait3A_429 = arith.constant 0 : i32
      %dma_wait3A_430 = tpu.memref_slice %arg7[%dma_wait3A_428, %dma_wait3A_429] : memref<250x80xi32, #tpu.memory_space<vmem>> -> memref<1x80xi32, #tpu.memory_space<vmem>>
      %dma_wait3A_431 = tpu.memref_squeeze %dma_wait3A_430 : memref<1x80xi32, #tpu.memory_space<vmem>> -> memref<80xi32, #tpu.memory_space<vmem>>
      %dma_wait3A_432 = arith.constant 0 : i32
      %dma_wait3A_433 = arith.constant 0 : i32
      %dma_wait3A_434 = tpu.memref_slice %arg16[%dma_wait3A_432, %dma_wait3A_433] : memref<10240x64xf32, #tpu.memory_space<vmem_shared>> -> memref<10240x64xf32, #tpu.memory_space<vmem_shared>>
      tpu.wait_indirect_dma semaphore(%arg18 : memref<!tpu.dma_semaphore, #tpu.memory_space<semaphore_mem>>) src(%arg9 : memref<80x64xf32, #tpu.memory_space<vmem>>) dst(%dma_wait3A_434 : memref<10240x64xf32, #tpu.memory_space<vmem_shared>>)
      %dma_wait3A_435 = arith.constant 0 : i32
      %dma_wait3A_436 = arith.constant 0 : i32
      %dma_wait3A_437 = tpu.memref_slice %arg7[%dma_wait3A_435, %dma_wait3A_436] : memref<250x80xi32, #tpu.memory_space<vmem>> -> memref<1x80xi32, #tpu.memory_space<vmem>>
      %dma_wait3A_438 = tpu.memref_squeeze %dma_wait3A_437 : memref<1x80xi32, #tpu.memory_space<vmem>> -> memref<80xi32, #tpu.memory_space<vmem>>
      %dma_wait3A_439 = arith.constant 0 : i32
      %dma_wait3A_440 = arith.constant 0 : i32
      %dma_wait3A_441 = tpu.memref_slice %arg16[%dma_wait3A_439, %dma_wait3A_440] : memref<10240x64xf32, #tpu.memory_space<vmem_shared>> -> memref<10240x64xf32, #tpu.memory_space<vmem_shared>>
      tpu.wait_indirect_dma semaphore(%arg19 : memref<!tpu.dma_semaphore, #tpu.memory_space<semaphore_mem>>) src(%arg10 : memref<80x64xf32, #tpu.memory_space<vmem>>) dst(%dma_wait3A_441 : memref<10240x64xf32, #tpu.memory_space<vmem_shared>>)
      %dma_wait3A_442 = arith.constant 0 : i32
      %dma_wait3A_443 = arith.constant 0 : i32
      %dma_wait3A_444 = tpu.memref_slice %arg7[%dma_wait3A_442, %dma_wait3A_443] : memref<250x80xi32, #tpu.memory_space<vmem>> -> memref<1x80xi32, #tpu.memory_space<vmem>>
      %dma_wait3A_445 = tpu.memref_squeeze %dma_wait3A_444 : memref<1x80xi32, #tpu.memory_space<vmem>> -> memref<80xi32, #tpu.memory_space<vmem>>
      %dma_wait3A_446 = arith.constant 0 : i32
      %dma_wait3A_447 = arith.constant 0 : i32
      %dma_wait3A_448 = tpu.memref_slice %arg16[%dma_wait3A_446, %dma_wait3A_447] : memref<10240x64xf32, #tpu.memory_space<vmem_shared>> -> memref<10240x64xf32, #tpu.memory_space<vmem_shared>>
      tpu.wait_indirect_dma semaphore(%arg20 : memref<!tpu.dma_semaphore, #tpu.memory_space<semaphore_mem>>) src(%arg11 : memref<80x64xf32, #tpu.memory_space<vmem>>) dst(%dma_wait3A_448 : memref<10240x64xf32, #tpu.memory_space<vmem_shared>>)
      %add3A_449 = arith.constant 8 : i32
      %add3A_450 = arith.addi %mul3A_286, %add3A_449 : i32
      %add3A_451 = arith.constant 0 : i32
      %add3A_452 = arith.addi %add3A_450, %add3A_451 : i32
      %lt3A = arith.constant 250 : i32
      %lt3A_453 = arith.cmpi slt, %add3A_452, %lt3A : i32
      %convert_element_type3A_454 = arith.extui %lt3A_453 : i1 to i32
      %cond3A_455 = arith.constant 0 : i32
      %cond3A_456 = arith.cmpi ne, %convert_element_type3A_454, %cond3A_455 : i32
      scf.if %cond3A_456 {
        %add3A_569 = arith.constant 8 : i32
        %add3A_570 = arith.addi %mul3A_286, %add3A_569 : i32
        %add3A_571 = arith.constant 0 : i32
        %add3A_572 = arith.addi %add3A_570, %add3A_571 : i32
        %dma_start3A_573 = arith.constant 0 : i32
        %dma_start3A_574 = tpu.memref_slice %arg6[%add3A_572, %dma_start3A_573] : memref<250x80xi32, #tpu.memory_space<vmem>> -> memref<1x80xi32, #tpu.memory_space<vmem>>
        %dma_start3A_575 = tpu.memref_squeeze %dma_start3A_574 : memref<1x80xi32, #tpu.memory_space<vmem>> -> memref<80xi32, #tpu.memory_space<vmem>>
        %dma_start3A_576 = arith.constant 0 : i32
        %dma_start3A_577 = arith.constant 0 : i32
        %dma_start3A_578 = tpu.memref_slice %arg4[%arg0, %dma_start3A_576, %dma_start3A_577] : memref<2x10000x64xf32, #tpu.memory_space<hbm>> -> memref<1x10000x64xf32, #tpu.memory_space<hbm>>
        %dma_start3A_579 = tpu.memref_squeeze %dma_start3A_578 : memref<1x10000x64xf32, #tpu.memory_space<hbm>> -> memref<10000x64xf32, #tpu.memory_space<hbm>>
        %dma_start3A_580 = arith.constant 0 : i32
        %dma_start3A_581 = arith.constant 0 : i32
        %dma_start3A_582 = tpu.memref_slice %dma_start3A_579[%dma_start3A_580, %dma_start3A_581] : memref<10000x64xf32, #tpu.memory_space<hbm>> -> memref<10000x64xf32, #tpu.memory_space<hbm>>
        tpu.enqueue_indirect_dma source(%dma_start3A_582 : memref<10000x64xf32, #tpu.memory_space<hbm>>) target(%arg8 : memref<80x64xf32, #tpu.memory_space<vmem>>) offsets(%dma_start3A_575 : memref<80xi32, #tpu.memory_space<vmem>>) semaphore(%arg17 : memref<!tpu.dma_semaphore, #tpu.memory_space<semaphore_mem>>)
      } else {
      }
      %add3A_457 = arith.constant 8 : i32
      %add3A_458 = arith.addi %mul3A_286, %add3A_457 : i32
      %add3A_459 = arith.constant 1 : i32
      %add3A_460 = arith.addi %add3A_458, %add3A_459 : i32
      %lt3A_461 = arith.constant 250 : i32
      %lt3A_462 = arith.cmpi slt, %add3A_460, %lt3A_461 : i32
      %convert_element_type3A_463 = arith.extui %lt3A_462 : i1 to i32
      %cond3A_464 = arith.constant 0 : i32
      %cond3A_465 = arith.cmpi ne, %convert_element_type3A_463, %cond3A_464 : i32
      scf.if %cond3A_465 {
        %add3A_569 = arith.constant 8 : i32
        %add3A_570 = arith.addi %mul3A_286, %add3A_569 : i32
        %add3A_571 = arith.constant 1 : i32
        %add3A_572 = arith.addi %add3A_570, %add3A_571 : i32
        %dma_start3A_573 = arith.constant 0 : i32
        %dma_start3A_574 = tpu.memref_slice %arg6[%add3A_572, %dma_start3A_573] : memref<250x80xi32, #tpu.memory_space<vmem>> -> memref<1x80xi32, #tpu.memory_space<vmem>>
        %dma_start3A_575 = tpu.memref_squeeze %dma_start3A_574 : memref<1x80xi32, #tpu.memory_space<vmem>> -> memref<80xi32, #tpu.memory_space<vmem>>
        %dma_start3A_576 = arith.constant 0 : i32
        %dma_start3A_577 = arith.constant 0 : i32
        %dma_start3A_578 = tpu.memref_slice %arg4[%arg0, %dma_start3A_576, %dma_start3A_577] : memref<2x10000x64xf32, #tpu.memory_space<hbm>> -> memref<1x10000x64xf32, #tpu.memory_space<hbm>>
        %dma_start3A_579 = tpu.memref_squeeze %dma_start3A_578 : memref<1x10000x64xf32, #tpu.memory_space<hbm>> -> memref<10000x64xf32, #tpu.memory_space<hbm>>
        %dma_start3A_580 = arith.constant 0 : i32
        %dma_start3A_581 = arith.constant 0 : i32
        %dma_start3A_582 = tpu.memref_slice %dma_start3A_579[%dma_start3A_580, %dma_start3A_581] : memref<10000x64xf32, #tpu.memory_space<hbm>> -> memref<10000x64xf32, #tpu.memory_space<hbm>>
        tpu.enqueue_indirect_dma source(%dma_start3A_582 : memref<10000x64xf32, #tpu.memory_space<hbm>>) target(%arg9 : memref<80x64xf32, #tpu.memory_space<vmem>>) offsets(%dma_start3A_575 : memref<80xi32, #tpu.memory_space<vmem>>) semaphore(%arg18 : memref<!tpu.dma_semaphore, #tpu.memory_space<semaphore_mem>>)
      } else {
      }
      %add3A_466 = arith.constant 8 : i32
      %add3A_467 = arith.addi %mul3A_286, %add3A_466 : i32
      %add3A_468 = arith.constant 2 : i32
      %add3A_469 = arith.addi %add3A_467, %add3A_468 : i32
      %lt3A_470 = arith.constant 250 : i32
      %lt3A_471 = arith.cmpi slt, %add3A_469, %lt3A_470 : i32
      %convert_element_type3A_472 = arith.extui %lt3A_471 : i1 to i32
      %cond3A_473 = arith.constant 0 : i32
      %cond3A_474 = arith.cmpi ne, %convert_element_type3A_472, %cond3A_473 : i32
      scf.if %cond3A_474 {
        %add3A_569 = arith.constant 8 : i32
        %add3A_570 = arith.addi %mul3A_286, %add3A_569 : i32
        %add3A_571 = arith.constant 2 : i32
        %add3A_572 = arith.addi %add3A_570, %add3A_571 : i32
        %dma_start3A_573 = arith.constant 0 : i32
        %dma_start3A_574 = tpu.memref_slice %arg6[%add3A_572, %dma_start3A_573] : memref<250x80xi32, #tpu.memory_space<vmem>> -> memref<1x80xi32, #tpu.memory_space<vmem>>
        %dma_start3A_575 = tpu.memref_squeeze %dma_start3A_574 : memref<1x80xi32, #tpu.memory_space<vmem>> -> memref<80xi32, #tpu.memory_space<vmem>>
        %dma_start3A_576 = arith.constant 0 : i32
        %dma_start3A_577 = arith.constant 0 : i32
        %dma_start3A_578 = tpu.memref_slice %arg4[%arg0, %dma_start3A_576, %dma_start3A_577] : memref<2x10000x64xf32, #tpu.memory_space<hbm>> -> memref<1x10000x64xf32, #tpu.memory_space<hbm>>
        %dma_start3A_579 = tpu.memref_squeeze %dma_start3A_578 : memref<1x10000x64xf32, #tpu.memory_space<hbm>> -> memref<10000x64xf32, #tpu.memory_space<hbm>>
        %dma_start3A_580 = arith.constant 0 : i32
        %dma_start3A_581 = arith.constant 0 : i32
        %dma_start3A_582 = tpu.memref_slice %dma_start3A_579[%dma_start3A_580, %dma_start3A_581] : memref<10000x64xf32, #tpu.memory_space<hbm>> -> memref<10000x64xf32, #tpu.memory_space<hbm>>
        tpu.enqueue_indirect_dma source(%dma_start3A_582 : memref<10000x64xf32, #tpu.memory_space<hbm>>) target(%arg10 : memref<80x64xf32, #tpu.memory_space<vmem>>) offsets(%dma_start3A_575 : memref<80xi32, #tpu.memory_space<vmem>>) semaphore(%arg19 : memref<!tpu.dma_semaphore, #tpu.memory_space<semaphore_mem>>)
      } else {
      }
      %add3A_475 = arith.constant 8 : i32
      %add3A_476 = arith.addi %mul3A_286, %add3A_475 : i32
      %add3A_477 = arith.constant 3 : i32
      %add3A_478 = arith.addi %add3A_476, %add3A_477 : i32
      %lt3A_479 = arith.constant 250 : i32
      %lt3A_480 = arith.cmpi slt, %add3A_478, %lt3A_479 : i32
      %convert_element_type3A_481 = arith.extui %lt3A_480 : i1 to i32
      %cond3A_482 = arith.constant 0 : i32
      %cond3A_483 = arith.cmpi ne, %convert_element_type3A_481, %cond3A_482 : i32
      scf.if %cond3A_483 {
        %add3A_569 = arith.constant 8 : i32
        %add3A_570 = arith.addi %mul3A_286, %add3A_569 : i32
        %add3A_571 = arith.constant 3 : i32
        %add3A_572 = arith.addi %add3A_570, %add3A_571 : i32
        %dma_start3A_573 = arith.constant 0 : i32
        %dma_start3A_574 = tpu.memref_slice %arg6[%add3A_572, %dma_start3A_573] : memref<250x80xi32, #tpu.memory_space<vmem>> -> memref<1x80xi32, #tpu.memory_space<vmem>>
        %dma_start3A_575 = tpu.memref_squeeze %dma_start3A_574 : memref<1x80xi32, #tpu.memory_space<vmem>> -> memref<80xi32, #tpu.memory_space<vmem>>
        %dma_start3A_576 = arith.constant 0 : i32
        %dma_start3A_577 = arith.constant 0 : i32
        %dma_start3A_578 = tpu.memref_slice %arg4[%arg0, %dma_start3A_576, %dma_start3A_577] : memref<2x10000x64xf32, #tpu.memory_space<hbm>> -> memref<1x10000x64xf32, #tpu.memory_space<hbm>>
        %dma_start3A_579 = tpu.memref_squeeze %dma_start3A_578 : memref<1x10000x64xf32, #tpu.memory_space<hbm>> -> memref<10000x64xf32, #tpu.memory_space<hbm>>
        %dma_start3A_580 = arith.constant 0 : i32
        %dma_start3A_581 = arith.constant 0 : i32
        %dma_start3A_582 = tpu.memref_slice %dma_start3A_579[%dma_start3A_580, %dma_start3A_581] : memref<10000x64xf32, #tpu.memory_space<hbm>> -> memref<10000x64xf32, #tpu.memory_space<hbm>>
        tpu.enqueue_indirect_dma source(%dma_start3A_582 : memref<10000x64xf32, #tpu.memory_space<hbm>>) target(%arg11 : memref<80x64xf32, #tpu.memory_space<vmem>>) offsets(%dma_start3A_575 : memref<80xi32, #tpu.memory_space<vmem>>) semaphore(%arg20 : memref<!tpu.dma_semaphore, #tpu.memory_space<semaphore_mem>>)
      } else {
      }
      %dma_wait3A_484 = arith.constant 0 : i32
      %dma_wait3A_485 = arith.constant 0 : i32
      %dma_wait3A_486 = tpu.memref_slice %arg6[%dma_wait3A_484, %dma_wait3A_485] : memref<250x80xi32, #tpu.memory_space<vmem>> -> memref<1x80xi32, #tpu.memory_space<vmem>>
      %dma_wait3A_487 = tpu.memref_squeeze %dma_wait3A_486 : memref<1x80xi32, #tpu.memory_space<vmem>> -> memref<80xi32, #tpu.memory_space<vmem>>
      %dma_wait3A_488 = arith.constant 0 : i32
      %dma_wait3A_489 = arith.constant 0 : i32
      %dma_wait3A_490 = tpu.memref_slice %arg4[%arg0, %dma_wait3A_488, %dma_wait3A_489] : memref<2x10000x64xf32, #tpu.memory_space<hbm>> -> memref<1x10000x64xf32, #tpu.memory_space<hbm>>
      %dma_wait3A_491 = tpu.memref_squeeze %dma_wait3A_490 : memref<1x10000x64xf32, #tpu.memory_space<hbm>> -> memref<10000x64xf32, #tpu.memory_space<hbm>>
      %dma_wait3A_492 = arith.constant 0 : i32
      %dma_wait3A_493 = arith.constant 0 : i32
      %dma_wait3A_494 = tpu.memref_slice %dma_wait3A_491[%dma_wait3A_492, %dma_wait3A_493] : memref<10000x64xf32, #tpu.memory_space<hbm>> -> memref<10000x64xf32, #tpu.memory_space<hbm>>
      tpu.wait_indirect_dma semaphore(%arg21 : memref<!tpu.dma_semaphore, #tpu.memory_space<semaphore_mem>>) src(%dma_wait3A_494 : memref<10000x64xf32, #tpu.memory_space<hbm>>) dst(%arg12 : memref<80x64xf32, #tpu.memory_space<vmem>>)
      %add3A_495 = arith.constant 4 : i32
      %add3A_496 = arith.addi %mul3A_286, %add3A_495 : i32
      %add3A_497 = arith.constant 0 : i32
      %add3A_498 = arith.addi %add3A_496, %add3A_497 : i32
      %dma_start3A_499 = arith.constant 0 : i32
      %dma_start3A_500 = tpu.memref_slice %arg7[%add3A_498, %dma_start3A_499] : memref<250x80xi32, #tpu.memory_space<vmem>> -> memref<1x80xi32, #tpu.memory_space<vmem>>
      %dma_start3A_501 = tpu.memref_squeeze %dma_start3A_500 : memref<1x80xi32, #tpu.memory_space<vmem>> -> memref<80xi32, #tpu.memory_space<vmem>>
      %dma_start3A_502 = arith.constant 0 : i32
      %dma_start3A_503 = arith.constant 0 : i32
      %dma_start3A_504 = tpu.memref_slice %arg16[%dma_start3A_502, %dma_start3A_503] : memref<10240x64xf32, #tpu.memory_space<vmem_shared>> -> memref<10240x64xf32, #tpu.memory_space<vmem_shared>>
      tpu.enqueue_indirect_dma source(%arg12 : memref<80x64xf32, #tpu.memory_space<vmem>>) target(%dma_start3A_504 : memref<10240x64xf32, #tpu.memory_space<vmem_shared>>) offsets(%dma_start3A_501 : memref<80xi32, #tpu.memory_space<vmem>>) semaphore(%arg21 : memref<!tpu.dma_semaphore, #tpu.memory_space<semaphore_mem>>) {add = true}
      %dma_wait3A_505 = arith.constant 0 : i32
      %dma_wait3A_506 = arith.constant 0 : i32
      %dma_wait3A_507 = tpu.memref_slice %arg6[%dma_wait3A_505, %dma_wait3A_506] : memref<250x80xi32, #tpu.memory_space<vmem>> -> memref<1x80xi32, #tpu.memory_space<vmem>>
      %dma_wait3A_508 = tpu.memref_squeeze %dma_wait3A_507 : memref<1x80xi32, #tpu.memory_space<vmem>> -> memref<80xi32, #tpu.memory_space<vmem>>
      %dma_wait3A_509 = arith.constant 0 : i32
      %dma_wait3A_510 = arith.constant 0 : i32
      %dma_wait3A_511 = tpu.memref_slice %arg4[%arg0, %dma_wait3A_509, %dma_wait3A_510] : memref<2x10000x64xf32, #tpu.memory_space<hbm>> -> memref<1x10000x64xf32, #tpu.memory_space<hbm>>
      %dma_wait3A_512 = tpu.memref_squeeze %dma_wait3A_511 : memref<1x10000x64xf32, #tpu.memory_space<hbm>> -> memref<10000x64xf32, #tpu.memory_space<hbm>>
      %dma_wait3A_513 = arith.constant 0 : i32
      %dma_wait3A_514 = arith.constant 0 : i32
      %dma_wait3A_515 = tpu.memref_slice %dma_wait3A_512[%dma_wait3A_513, %dma_wait3A_514] : memref<10000x64xf32, #tpu.memory_space<hbm>> -> memref<10000x64xf32, #tpu.memory_space<hbm>>
      tpu.wait_indirect_dma semaphore(%arg22 : memref<!tpu.dma_semaphore, #tpu.memory_space<semaphore_mem>>) src(%dma_wait3A_515 : memref<10000x64xf32, #tpu.memory_space<hbm>>) dst(%arg13 : memref<80x64xf32, #tpu.memory_space<vmem>>)
      %add3A_516 = arith.constant 4 : i32
      %add3A_517 = arith.addi %mul3A_286, %add3A_516 : i32
      %add3A_518 = arith.constant 1 : i32
      %add3A_519 = arith.addi %add3A_517, %add3A_518 : i32
      %dma_start3A_520 = arith.constant 0 : i32
      %dma_start3A_521 = tpu.memref_slice %arg7[%add3A_519, %dma_start3A_520] : memref<250x80xi32, #tpu.memory_space<vmem>> -> memref<1x80xi32, #tpu.memory_space<vmem>>
      %dma_start3A_522 = tpu.memref_squeeze %dma_start3A_521 : memref<1x80xi32, #tpu.memory_space<vmem>> -> memref<80xi32, #tpu.memory_space<vmem>>
      %dma_start3A_523 = arith.constant 0 : i32
      %dma_start3A_524 = arith.constant 0 : i32
      %dma_start3A_525 = tpu.memref_slice %arg16[%dma_start3A_523, %dma_start3A_524] : memref<10240x64xf32, #tpu.memory_space<vmem_shared>> -> memref<10240x64xf32, #tpu.memory_space<vmem_shared>>
      tpu.enqueue_indirect_dma source(%arg13 : memref<80x64xf32, #tpu.memory_space<vmem>>) target(%dma_start3A_525 : memref<10240x64xf32, #tpu.memory_space<vmem_shared>>) offsets(%dma_start3A_522 : memref<80xi32, #tpu.memory_space<vmem>>) semaphore(%arg22 : memref<!tpu.dma_semaphore, #tpu.memory_space<semaphore_mem>>) {add = true}
      %dma_wait3A_526 = arith.constant 0 : i32
      %dma_wait3A_527 = arith.constant 0 : i32
      %dma_wait3A_528 = tpu.memref_slice %arg6[%dma_wait3A_526, %dma_wait3A_527] : memref<250x80xi32, #tpu.memory_space<vmem>> -> memref<1x80xi32, #tpu.memory_space<vmem>>
      %dma_wait3A_529 = tpu.memref_squeeze %dma_wait3A_528 : memref<1x80xi32, #tpu.memory_space<vmem>> -> memref<80xi32, #tpu.memory_space<vmem>>
      %dma_wait3A_530 = arith.constant 0 : i32
      %dma_wait3A_531 = arith.constant 0 : i32
      %dma_wait3A_532 = tpu.memref_slice %arg4[%arg0, %dma_wait3A_530, %dma_wait3A_531] : memref<2x10000x64xf32, #tpu.memory_space<hbm>> -> memref<1x10000x64xf32, #tpu.memory_space<hbm>>
      %dma_wait3A_533 = tpu.memref_squeeze %dma_wait3A_532 : memref<1x10000x64xf32, #tpu.memory_space<hbm>> -> memref<10000x64xf32, #tpu.memory_space<hbm>>
      %dma_wait3A_534 = arith.constant 0 : i32
      %dma_wait3A_535 = arith.constant 0 : i32
      %dma_wait3A_536 = tpu.memref_slice %dma_wait3A_533[%dma_wait3A_534, %dma_wait3A_535] : memref<10000x64xf32, #tpu.memory_space<hbm>> -> memref<10000x64xf32, #tpu.memory_space<hbm>>
      tpu.wait_indirect_dma semaphore(%arg23 : memref<!tpu.dma_semaphore, #tpu.memory_space<semaphore_mem>>) src(%dma_wait3A_536 : memref<10000x64xf32, #tpu.memory_space<hbm>>) dst(%arg14 : memref<80x64xf32, #tpu.memory_space<vmem>>)
      %add3A_537 = arith.constant 4 : i32
      %add3A_538 = arith.addi %mul3A_286, %add3A_537 : i32
      %add3A_539 = arith.constant 2 : i32
      %add3A_540 = arith.addi %add3A_538, %add3A_539 : i32
      %dma_start3A_541 = arith.constant 0 : i32
      %dma_start3A_542 = tpu.memref_slice %arg7[%add3A_540, %dma_start3A_541] : memref<250x80xi32, #tpu.memory_space<vmem>> -> memref<1x80xi32, #tpu.memory_space<vmem>>
      %dma_start3A_543 = tpu.memref_squeeze %dma_start3A_542 : memref<1x80xi32, #tpu.memory_space<vmem>> -> memref<80xi32, #tpu.memory_space<vmem>>
      %dma_start3A_544 = arith.constant 0 : i32
      %dma_start3A_545 = arith.constant 0 : i32
      %dma_start3A_546 = tpu.memref_slice %arg16[%dma_start3A_544, %dma_start3A_545] : memref<10240x64xf32, #tpu.memory_space<vmem_shared>> -> memref<10240x64xf32, #tpu.memory_space<vmem_shared>>
      tpu.enqueue_indirect_dma source(%arg14 : memref<80x64xf32, #tpu.memory_space<vmem>>) target(%dma_start3A_546 : memref<10240x64xf32, #tpu.memory_space<vmem_shared>>) offsets(%dma_start3A_543 : memref<80xi32, #tpu.memory_space<vmem>>) semaphore(%arg23 : memref<!tpu.dma_semaphore, #tpu.memory_space<semaphore_mem>>) {add = true}
      %dma_wait3A_547 = arith.constant 0 : i32
      %dma_wait3A_548 = arith.constant 0 : i32
      %dma_wait3A_549 = tpu.memref_slice %arg6[%dma_wait3A_547, %dma_wait3A_548] : memref<250x80xi32, #tpu.memory_space<vmem>> -> memref<1x80xi32, #tpu.memory_space<vmem>>
      %dma_wait3A_550 = tpu.memref_squeeze %dma_wait3A_549 : memref<1x80xi32, #tpu.memory_space<vmem>> -> memref<80xi32, #tpu.memory_space<vmem>>
      %dma_wait3A_551 = arith.constant 0 : i32
      %dma_wait3A_552 = arith.constant 0 : i32
      %dma_wait3A_553 = tpu.memref_slice %arg4[%arg0, %dma_wait3A_551, %dma_wait3A_552] : memref<2x10000x64xf32, #tpu.memory_space<hbm>> -> memref<1x10000x64xf32, #tpu.memory_space<hbm>>
      %dma_wait3A_554 = tpu.memref_squeeze %dma_wait3A_553 : memref<1x10000x64xf32, #tpu.memory_space<hbm>> -> memref<10000x64xf32, #tpu.memory_space<hbm>>
      %dma_wait3A_555 = arith.constant 0 : i32
      %dma_wait3A_556 = arith.constant 0 : i32
      %dma_wait3A_557 = tpu.memref_slice %dma_wait3A_554[%dma_wait3A_555, %dma_wait3A_556] : memref<10000x64xf32, #tpu.memory_space<hbm>> -> memref<10000x64xf32, #tpu.memory_space<hbm>>
      tpu.wait_indirect_dma semaphore(%arg24 : memref<!tpu.dma_semaphore, #tpu.memory_space<semaphore_mem>>) src(%dma_wait3A_557 : memref<10000x64xf32, #tpu.memory_space<hbm>>) dst(%arg15 : memref<80x64xf32, #tpu.memory_space<vmem>>)
      %add3A_558 = arith.constant 4 : i32
      %add3A_559 = arith.addi %mul3A_286, %add3A_558 : i32
      %add3A_560 = arith.constant 3 : i32
      %add3A_561 = arith.addi %add3A_559, %add3A_560 : i32
      %dma_start3A_562 = arith.constant 0 : i32
      %dma_start3A_563 = tpu.memref_slice %arg7[%add3A_561, %dma_start3A_562] : memref<250x80xi32, #tpu.memory_space<vmem>> -> memref<1x80xi32, #tpu.memory_space<vmem>>
      %dma_start3A_564 = tpu.memref_squeeze %dma_start3A_563 : memref<1x80xi32, #tpu.memory_space<vmem>> -> memref<80xi32, #tpu.memory_space<vmem>>
      %dma_start3A_565 = arith.constant 0 : i32
      %dma_start3A_566 = arith.constant 0 : i32
      %dma_start3A_567 = tpu.memref_slice %arg16[%dma_start3A_565, %dma_start3A_566] : memref<10240x64xf32, #tpu.memory_space<vmem_shared>> -> memref<10240x64xf32, #tpu.memory_space<vmem_shared>>
      tpu.enqueue_indirect_dma source(%arg15 : memref<80x64xf32, #tpu.memory_space<vmem>>) target(%dma_start3A_567 : memref<10240x64xf32, #tpu.memory_space<vmem_shared>>) offsets(%dma_start3A_564 : memref<80xi32, #tpu.memory_space<vmem>>) semaphore(%arg24 : memref<!tpu.dma_semaphore, #tpu.memory_space<semaphore_mem>>) {add = true}
      %scan3A_568 = arith.constant 0 : i32
      scf.yield %scan3A_568 : i32
    }
    %scan3A_197 = arith.constant 31 : i32
    %dma_wait3A_198 = arith.constant 0 : i32
    %dma_wait3A_199 = arith.constant 0 : i32
    %dma_wait3A_200 = tpu.memref_slice %arg6[%dma_wait3A_198, %dma_wait3A_199] : memref<250x80xi32, #tpu.memory_space<vmem>> -> memref<1x80xi32, #tpu.memory_space<vmem>>
    %dma_wait3A_201 = tpu.memref_squeeze %dma_wait3A_200 : memref<1x80xi32, #tpu.memory_space<vmem>> -> memref<80xi32, #tpu.memory_space<vmem>>
    %dma_wait3A_202 = arith.constant 0 : i32
    %dma_wait3A_203 = arith.constant 0 : i32
    %dma_wait3A_204 = tpu.memref_slice %arg4[%arg0, %dma_wait3A_202, %dma_wait3A_203] : memref<2x10000x64xf32, #tpu.memory_space<hbm>> -> memref<1x10000x64xf32, #tpu.memory_space<hbm>>
    %dma_wait3A_205 = tpu.memref_squeeze %dma_wait3A_204 : memref<1x10000x64xf32, #tpu.memory_space<hbm>> -> memref<10000x64xf32, #tpu.memory_space<hbm>>
    %dma_wait3A_206 = arith.constant 0 : i32
    %dma_wait3A_207 = arith.constant 0 : i32
    %dma_wait3A_208 = tpu.memref_slice %dma_wait3A_205[%dma_wait3A_206, %dma_wait3A_207] : memref<10000x64xf32, #tpu.memory_space<hbm>> -> memref<10000x64xf32, #tpu.memory_space<hbm>>
    tpu.wait_indirect_dma semaphore(%arg17 : memref<!tpu.dma_semaphore, #tpu.memory_space<semaphore_mem>>) src(%dma_wait3A_208 : memref<10000x64xf32, #tpu.memory_space<hbm>>) dst(%arg8 : memref<80x64xf32, #tpu.memory_space<vmem>>)
    %dma_start3A_209 = arith.constant 248 : i32
    %dma_start3A_210 = arith.constant 0 : i32
    %dma_start3A_211 = tpu.memref_slice %arg7[%dma_start3A_209, %dma_start3A_210] : memref<250x80xi32, #tpu.memory_space<vmem>> -> memref<1x80xi32, #tpu.memory_space<vmem>>
    %dma_start3A_212 = tpu.memref_squeeze %dma_start3A_211 : memref<1x80xi32, #tpu.memory_space<vmem>> -> memref<80xi32, #tpu.memory_space<vmem>>
    %dma_start3A_213 = arith.constant 0 : i32
    %dma_start3A_214 = arith.constant 0 : i32
    %dma_start3A_215 = tpu.memref_slice %arg16[%dma_start3A_213, %dma_start3A_214] : memref<10240x64xf32, #tpu.memory_space<vmem_shared>> -> memref<10240x64xf32, #tpu.memory_space<vmem_shared>>
    tpu.enqueue_indirect_dma source(%arg8 : memref<80x64xf32, #tpu.memory_space<vmem>>) target(%dma_start3A_215 : memref<10240x64xf32, #tpu.memory_space<vmem_shared>>) offsets(%dma_start3A_212 : memref<80xi32, #tpu.memory_space<vmem>>) semaphore(%arg17 : memref<!tpu.dma_semaphore, #tpu.memory_space<semaphore_mem>>) {add = true}
    %dma_wait3A_216 = arith.constant 0 : i32
    %dma_wait3A_217 = arith.constant 0 : i32
    %dma_wait3A_218 = tpu.memref_slice %arg6[%dma_wait3A_216, %dma_wait3A_217] : memref<250x80xi32, #tpu.memory_space<vmem>> -> memref<1x80xi32, #tpu.memory_space<vmem>>
    %dma_wait3A_219 = tpu.memref_squeeze %dma_wait3A_218 : memref<1x80xi32, #tpu.memory_space<vmem>> -> memref<80xi32, #tpu.memory_space<vmem>>
    %dma_wait3A_220 = arith.constant 0 : i32
    %dma_wait3A_221 = arith.constant 0 : i32
    %dma_wait3A_222 = tpu.memref_slice %arg4[%arg0, %dma_wait3A_220, %dma_wait3A_221] : memref<2x10000x64xf32, #tpu.memory_space<hbm>> -> memref<1x10000x64xf32, #tpu.memory_space<hbm>>
    %dma_wait3A_223 = tpu.memref_squeeze %dma_wait3A_222 : memref<1x10000x64xf32, #tpu.memory_space<hbm>> -> memref<10000x64xf32, #tpu.memory_space<hbm>>
    %dma_wait3A_224 = arith.constant 0 : i32
    %dma_wait3A_225 = arith.constant 0 : i32
    %dma_wait3A_226 = tpu.memref_slice %dma_wait3A_223[%dma_wait3A_224, %dma_wait3A_225] : memref<10000x64xf32, #tpu.memory_space<hbm>> -> memref<10000x64xf32, #tpu.memory_space<hbm>>
    tpu.wait_indirect_dma semaphore(%arg18 : memref<!tpu.dma_semaphore, #tpu.memory_space<semaphore_mem>>) src(%dma_wait3A_226 : memref<10000x64xf32, #tpu.memory_space<hbm>>) dst(%arg9 : memref<80x64xf32, #tpu.memory_space<vmem>>)
    %dma_start3A_227 = arith.constant 249 : i32
    %dma_start3A_228 = arith.constant 0 : i32
    %dma_start3A_229 = tpu.memref_slice %arg7[%dma_start3A_227, %dma_start3A_228] : memref<250x80xi32, #tpu.memory_space<vmem>> -> memref<1x80xi32, #tpu.memory_space<vmem>>
    %dma_start3A_230 = tpu.memref_squeeze %dma_start3A_229 : memref<1x80xi32, #tpu.memory_space<vmem>> -> memref<80xi32, #tpu.memory_space<vmem>>
    %dma_start3A_231 = arith.constant 0 : i32
    %dma_start3A_232 = arith.constant 0 : i32
    %dma_start3A_233 = tpu.memref_slice %arg16[%dma_start3A_231, %dma_start3A_232] : memref<10240x64xf32, #tpu.memory_space<vmem_shared>> -> memref<10240x64xf32, #tpu.memory_space<vmem_shared>>
    tpu.enqueue_indirect_dma source(%arg9 : memref<80x64xf32, #tpu.memory_space<vmem>>) target(%dma_start3A_233 : memref<10240x64xf32, #tpu.memory_space<vmem_shared>>) offsets(%dma_start3A_230 : memref<80xi32, #tpu.memory_space<vmem>>) semaphore(%arg18 : memref<!tpu.dma_semaphore, #tpu.memory_space<semaphore_mem>>) {add = true}
    %dma_wait3A_234 = arith.constant 0 : i32
    %dma_wait3A_235 = arith.constant 0 : i32
    %dma_wait3A_236 = tpu.memref_slice %arg7[%dma_wait3A_234, %dma_wait3A_235] : memref<250x80xi32, #tpu.memory_space<vmem>> -> memref<1x80xi32, #tpu.memory_space<vmem>>
    %dma_wait3A_237 = tpu.memref_squeeze %dma_wait3A_236 : memref<1x80xi32, #tpu.memory_space<vmem>> -> memref<80xi32, #tpu.memory_space<vmem>>
    %dma_wait3A_238 = arith.constant 0 : i32
    %dma_wait3A_239 = arith.constant 0 : i32
    %dma_wait3A_240 = tpu.memref_slice %arg16[%dma_wait3A_238, %dma_wait3A_239] : memref<10240x64xf32, #tpu.memory_space<vmem_shared>> -> memref<10240x64xf32, #tpu.memory_space<vmem_shared>>
    tpu.wait_indirect_dma semaphore(%arg21 : memref<!tpu.dma_semaphore, #tpu.memory_space<semaphore_mem>>) src(%arg12 : memref<80x64xf32, #tpu.memory_space<vmem>>) dst(%dma_wait3A_240 : memref<10240x64xf32, #tpu.memory_space<vmem_shared>>)
    %dma_wait3A_241 = arith.constant 0 : i32
    %dma_wait3A_242 = arith.constant 0 : i32
    %dma_wait3A_243 = tpu.memref_slice %arg7[%dma_wait3A_241, %dma_wait3A_242] : memref<250x80xi32, #tpu.memory_space<vmem>> -> memref<1x80xi32, #tpu.memory_space<vmem>>
    %dma_wait3A_244 = tpu.memref_squeeze %dma_wait3A_243 : memref<1x80xi32, #tpu.memory_space<vmem>> -> memref<80xi32, #tpu.memory_space<vmem>>
    %dma_wait3A_245 = arith.constant 0 : i32
    %dma_wait3A_246 = arith.constant 0 : i32
    %dma_wait3A_247 = tpu.memref_slice %arg16[%dma_wait3A_245, %dma_wait3A_246] : memref<10240x64xf32, #tpu.memory_space<vmem_shared>> -> memref<10240x64xf32, #tpu.memory_space<vmem_shared>>
    tpu.wait_indirect_dma semaphore(%arg22 : memref<!tpu.dma_semaphore, #tpu.memory_space<semaphore_mem>>) src(%arg13 : memref<80x64xf32, #tpu.memory_space<vmem>>) dst(%dma_wait3A_247 : memref<10240x64xf32, #tpu.memory_space<vmem_shared>>)
    %dma_wait3A_248 = arith.constant 0 : i32
    %dma_wait3A_249 = arith.constant 0 : i32
    %dma_wait3A_250 = tpu.memref_slice %arg7[%dma_wait3A_248, %dma_wait3A_249] : memref<250x80xi32, #tpu.memory_space<vmem>> -> memref<1x80xi32, #tpu.memory_space<vmem>>
    %dma_wait3A_251 = tpu.memref_squeeze %dma_wait3A_250 : memref<1x80xi32, #tpu.memory_space<vmem>> -> memref<80xi32, #tpu.memory_space<vmem>>
    %dma_wait3A_252 = arith.constant 0 : i32
    %dma_wait3A_253 = arith.constant 0 : i32
    %dma_wait3A_254 = tpu.memref_slice %arg16[%dma_wait3A_252, %dma_wait3A_253] : memref<10240x64xf32, #tpu.memory_space<vmem_shared>> -> memref<10240x64xf32, #tpu.memory_space<vmem_shared>>
    tpu.wait_indirect_dma semaphore(%arg23 : memref<!tpu.dma_semaphore, #tpu.memory_space<semaphore_mem>>) src(%arg14 : memref<80x64xf32, #tpu.memory_space<vmem>>) dst(%dma_wait3A_254 : memref<10240x64xf32, #tpu.memory_space<vmem_shared>>)
    %dma_wait3A_255 = arith.constant 0 : i32
    %dma_wait3A_256 = arith.constant 0 : i32
    %dma_wait3A_257 = tpu.memref_slice %arg7[%dma_wait3A_255, %dma_wait3A_256] : memref<250x80xi32, #tpu.memory_space<vmem>> -> memref<1x80xi32, #tpu.memory_space<vmem>>
    %dma_wait3A_258 = tpu.memref_squeeze %dma_wait3A_257 : memref<1x80xi32, #tpu.memory_space<vmem>> -> memref<80xi32, #tpu.memory_space<vmem>>
    %dma_wait3A_259 = arith.constant 0 : i32
    %dma_wait3A_260 = arith.constant 0 : i32
    %dma_wait3A_261 = tpu.memref_slice %arg16[%dma_wait3A_259, %dma_wait3A_260] : memref<10240x64xf32, #tpu.memory_space<vmem_shared>> -> memref<10240x64xf32, #tpu.memory_space<vmem_shared>>
    tpu.wait_indirect_dma semaphore(%arg24 : memref<!tpu.dma_semaphore, #tpu.memory_space<semaphore_mem>>) src(%arg15 : memref<80x64xf32, #tpu.memory_space<vmem>>) dst(%dma_wait3A_261 : memref<10240x64xf32, #tpu.memory_space<vmem_shared>>)
    %dma_wait3A_262 = arith.constant 0 : i32
    %dma_wait3A_263 = arith.constant 0 : i32
    %dma_wait3A_264 = tpu.memref_slice %arg7[%dma_wait3A_262, %dma_wait3A_263] : memref<250x80xi32, #tpu.memory_space<vmem>> -> memref<1x80xi32, #tpu.memory_space<vmem>>
    %dma_wait3A_265 = tpu.memref_squeeze %dma_wait3A_264 : memref<1x80xi32, #tpu.memory_space<vmem>> -> memref<80xi32, #tpu.memory_space<vmem>>
    %dma_wait3A_266 = arith.constant 0 : i32
    %dma_wait3A_267 = arith.constant 0 : i32
    %dma_wait3A_268 = tpu.memref_slice %arg16[%dma_wait3A_266, %dma_wait3A_267] : memref<10240x64xf32, #tpu.memory_space<vmem_shared>> -> memref<10240x64xf32, #tpu.memory_space<vmem_shared>>
    tpu.wait_indirect_dma semaphore(%arg17 : memref<!tpu.dma_semaphore, #tpu.memory_space<semaphore_mem>>) src(%arg8 : memref<80x64xf32, #tpu.memory_space<vmem>>) dst(%dma_wait3A_268 : memref<10240x64xf32, #tpu.memory_space<vmem_shared>>)
    %dma_wait3A_269 = arith.constant 0 : i32
    %dma_wait3A_270 = arith.constant 0 : i32
    %dma_wait3A_271 = tpu.memref_slice %arg7[%dma_wait3A_269, %dma_wait3A_270] : memref<250x80xi32, #tpu.memory_space<vmem>> -> memref<1x80xi32, #tpu.memory_space<vmem>>
    %dma_wait3A_272 = tpu.memref_squeeze %dma_wait3A_271 : memref<1x80xi32, #tpu.memory_space<vmem>> -> memref<80xi32, #tpu.memory_space<vmem>>
    %dma_wait3A_273 = arith.constant 0 : i32
    %dma_wait3A_274 = arith.constant 0 : i32
    %dma_wait3A_275 = tpu.memref_slice %arg16[%dma_wait3A_273, %dma_wait3A_274] : memref<10240x64xf32, #tpu.memory_space<vmem_shared>> -> memref<10240x64xf32, #tpu.memory_space<vmem_shared>>
    tpu.wait_indirect_dma semaphore(%arg18 : memref<!tpu.dma_semaphore, #tpu.memory_space<semaphore_mem>>) src(%arg9 : memref<80x64xf32, #tpu.memory_space<vmem>>) dst(%dma_wait3A_275 : memref<10240x64xf32, #tpu.memory_space<vmem_shared>>)
    %barrier3A_276 = arith.constant 0 : index
    tpu.barrier barrier_id(%barrier3A_276)
    %mul3A_277 = arith.constant 640 : i32
    %mul3A_278 = arith.muli %arg1, %mul3A_277 : i32
    %mul3A_279 = arith.constant 640 : i32
    %mul3A_280 = arith.muli %arg1, %mul3A_279 : i32
    "tpu.region"() ({
      %run_scoped3A = tpu.sem_alloc : memref<!tpu.dma_semaphore, #tpu.memory_space<semaphore_mem>>
      %dma_start3A_281 = arith.constant 0 : i32
      %dma_start3A_282 = tpu.memref_slice %arg5[%arg0, %mul3A_280, %dma_start3A_281] : memref<2x10240x64xf32, #tpu.memory_space<hbm>> -> memref<1x640x64xf32, #tpu.memory_space<hbm>>
      %dma_start3A_283 = tpu.memref_squeeze %dma_start3A_282 : memref<1x640x64xf32, #tpu.memory_space<hbm>> -> memref<640x64xf32, #tpu.memory_space<hbm>>
      %dma_start3A_284 = arith.constant 0 : i32
      %dma_start3A_285 = tpu.memref_slice %arg16[%mul3A_278, %dma_start3A_284] : memref<10240x64xf32, #tpu.memory_space<vmem_shared>> -> memref<640x64xf32, #tpu.memory_space<vmem_shared>>
      tpu.enqueue_dma source(%dma_start3A_285 : memref<640x64xf32, #tpu.memory_space<vmem_shared>>) target(%dma_start3A_283 : memref<640x64xf32, #tpu.memory_space<hbm>>) target_semaphore(%run_scoped3A : memref<!tpu.dma_semaphore, #tpu.memory_space<semaphore_mem>>)
      %dma_wait3A_286 = arith.constant 0 : i32
      %dma_wait3A_287 = tpu.memref_slice %arg5[%arg0, %mul3A_280, %dma_wait3A_286] : memref<2x10240x64xf32, #tpu.memory_space<hbm>> -> memref<1x640x64xf32, #tpu.memory_space<hbm>>
      %dma_wait3A_288 = tpu.memref_squeeze %dma_wait3A_287 : memref<1x640x64xf32, #tpu.memory_space<hbm>> -> memref<640x64xf32, #tpu.memory_space<hbm>>
      %dma_wait3A_289 = arith.constant 0 : i32
      %dma_wait3A_290 = tpu.memref_slice %arg16[%mul3A_278, %dma_wait3A_289] : memref<10240x64xf32, #tpu.memory_space<vmem_shared>> -> memref<640x64xf32, #tpu.memory_space<vmem_shared>>
      tpu.wait_dma2 semaphore(%run_scoped3A : memref<!tpu.dma_semaphore, #tpu.memory_space<semaphore_mem>>) src(%dma_wait3A_290 : memref<640x64xf32, #tpu.memory_space<vmem_shared>>) dst(%dma_wait3A_288 : memref<640x64xf32, #tpu.memory_space<hbm>>)
      tpu.yield
    }) : () -> ()
    return
  }
}

module attributes {stable_mosaic.version = 14 : i64} {
  func.func @_prep_body(%arg0: i32, %arg1: memref<2000x128xf32, #tpu.memory_space<vmem>>, %arg2: memref<128x128xf32, #tpu.memory_space<vmem>>, %arg3: memref<2x5x2000xf32, #tpu.memory_space<vmem>>, %arg4: memref<2x2000x64xf32, #tpu.memory_space<vmem>>) attributes {dimension_semantics = [#tpu.dimension_semantics<arbitrary>], iteration_bounds = array<i64: 5>, scalar_prefetch = 0 : i64, scratch_operands = 0 : i64, tpu.core_type = #tpu.core_type<tc>, window_params = [{transform_indices = @transform_0, window_bounds = array<i64: 2000, 128>}, {pipeline_mode = #tpu.pipeline_mode<synchronous>, transform_indices = @transform_1, window_bounds = array<i64: 128, 128>}, {pipeline_mode = #tpu.pipeline_mode<synchronous>, transform_indices = @transform_2, window_bounds = array<i64: 2, 5, 2000>}, {transform_indices = @transform_3, window_bounds = array<i64: 2, 2000, 64>}]} {
    %get3A = arith.constant 0 : index
    %get3A_0 = arith.constant 0 : index
    %get3A_1 = vector.load %arg1[%get3A, %get3A_0] : memref<2000x128xf32, #tpu.memory_space<vmem>>, vector<2000x128xf32>
    %get3A_2 = arith.constant 0 : index
    %get3A_3 = arith.constant 0 : index
    %get3A_4 = vector.load %arg2[%get3A_2, %get3A_3] : memref<128x128xf32, #tpu.memory_space<vmem>>, vector<128x128xf32>
    %dot_general3A = arith.constant dense<0.000000e+00> : vector<2000x128xf32>
    %dot_general3A_5 = tpu.matmul %get3A_1, %get3A_4, %dot_general3A {dimension_numbers = #tpu.dot_dimension_numbers<[1], [0], [0], [1], [0, 0, 1, 1], [], []>, transpose_lhs_hint = false} : vector<2000x128xf32>, vector<128x128xf32>, vector<2000x128xf32> -> vector<2000x128xf32>
    %get3A_6 = arith.constant 0 : index
    %get3A_7 = arith.index_cast %arg0 : i32 to index
    %get3A_8 = arith.constant 0 : index
    %get3A_9 = vector.load %arg3[%get3A_6, %get3A_7, %get3A_8] : memref<2x5x2000xf32, #tpu.memory_space<vmem>>, vector<1x1x2000xf32>
    %get3A_10 = vector.shape_cast %get3A_9 : vector<1x1x2000xf32> to vector<1x2000xf32>
    %squeeze3A = vector.shape_cast %get3A_10 : vector<1x2000xf32> to vector<2000xf32>
    %get3A_11 = arith.constant 1 : index
    %get3A_12 = arith.index_cast %arg0 : i32 to index
    %get3A_13 = arith.constant 0 : index
    %get3A_14 = vector.load %arg3[%get3A_11, %get3A_12, %get3A_13] : memref<2x5x2000xf32, #tpu.memory_space<vmem>>, vector<1x1x2000xf32>
    %get3A_15 = vector.shape_cast %get3A_14 : vector<1x1x2000xf32> to vector<1x2000xf32>
    %squeeze3A_16 = vector.shape_cast %get3A_15 : vector<1x2000xf32> to vector<2000xf32>
    %add3A = arith.addf %squeeze3A, %squeeze3A_16 : vector<2000xf32>
    %add3A_17 = arith.constant 1.000000e+00 : f32
    %add3A_18 = vector.broadcast %add3A_17 : f32 to vector<2000xf32>
    %add3A_19 = arith.addf %add3A, %add3A_18 : vector<2000xf32>
    %rsqrt3A = math.rsqrt %add3A_19 : vector<2000xf32>
    %broadcast_in_dim3A = vector.shape_cast %rsqrt3A : vector<2000xf32> to vector<2000x1xf32>
    %mul3A = vector.broadcast %broadcast_in_dim3A : vector<2000x1xf32> to vector<2000x128xf32>
    %mul3A_20 = arith.mulf %dot_general3A_5, %mul3A : vector<2000x128xf32>
    %slice3A = vector.extract_strided_slice %mul3A_20 {offsets = [0, 0], sizes = [2000, 64], strides = [1, 1]} : vector<2000x128xf32> to vector<2000x64xf32>
    %swap3A = arith.constant 0 : index
    %swap3A_21 = arith.constant 0 : index
    %swap3A_22 = arith.constant 0 : index
    %swap3A_23 = vector.load %arg4[%swap3A, %swap3A_21, %swap3A_22] : memref<2x2000x64xf32, #tpu.memory_space<vmem>>, vector<1x2000x64xf32>
    %swap3A_24 = vector.shape_cast %swap3A_23 : vector<1x2000x64xf32> to vector<2000x64xf32>
    %swap3A_25 = vector.shape_cast %slice3A : vector<2000x64xf32> to vector<1x2000x64xf32>
    tpu.vector_store %arg4[%swap3A, %swap3A_21, %swap3A_22], %swap3A_25 {strides = array<i32>} : memref<2x2000x64xf32, #tpu.memory_space<vmem>>, vector<1x2000x64xf32>,
    %slice3A_26 = vector.extract_strided_slice %mul3A_20 {offsets = [0, 64], sizes = [2000, 64], strides = [1, 1]} : vector<2000x128xf32> to vector<2000x64xf32>
    %swap3A_27 = arith.constant 1 : index
    %swap3A_28 = arith.constant 0 : index
    %swap3A_29 = arith.constant 0 : index
    %swap3A_30 = vector.load %arg4[%swap3A_27, %swap3A_28, %swap3A_29] : memref<2x2000x64xf32, #tpu.memory_space<vmem>>, vector<1x2000x64xf32>
    %swap3A_31 = vector.shape_cast %swap3A_30 : vector<1x2000x64xf32> to vector<2000x64xf32>
    %swap3A_32 = vector.shape_cast %slice3A_26 : vector<2000x64xf32> to vector<1x2000x64xf32>
    tpu.vector_store %arg4[%swap3A_27, %swap3A_28, %swap3A_29], %swap3A_32 {strides = array<i32>} : memref<2x2000x64xf32, #tpu.memory_space<vmem>>, vector<1x2000x64xf32>,
    return
  }
  func.func @transform_0(%arg0: i32) -> (i32, i32) {
    %c0_i32 = arith.constant 0 : i32
    %c0_i32_0 = arith.constant 0 : i32
    return %arg0, %c0_i32 : i32, i32
  }
  func.func @transform_1(%arg0: i32) -> (i32, i32) {
    %c0_i32 = arith.constant 0 : i32
    %c0_i32_0 = arith.constant 0 : i32
    %c0_i32_1 = arith.constant 0 : i32
    return %c0_i32, %c0_i32_0 : i32, i32
  }
  func.func @transform_2(%arg0: i32) -> (i32, i32, i32) {
    %c0_i32 = arith.constant 0 : i32
    %c0_i32_0 = arith.constant 0 : i32
    %c0_i32_1 = arith.constant 0 : i32
    %c0_i32_2 = arith.constant 0 : i32
    return %c0_i32, %c0_i32_0, %c0_i32_1 : i32, i32, i32
  }
  func.func @transform_3(%arg0: i32) -> (i32, i32, i32) {
    %c0_i32 = arith.constant 0 : i32
    %c0_i32_0 = arith.constant 0 : i32
    %c0_i32_1 = arith.constant 0 : i32
    return %c0_i32, %arg0, %c0_i32_0 : i32, i32, i32
  }
}

module attributes {stable_mosaic.version = 14 : i64} {
  func.func @_combine_body(%arg0: i32, %arg1: memref<2x2000x64xf32, #tpu.memory_space<vmem>>, %arg2: memref<2x2000x64xf32, #tpu.memory_space<vmem>>, %arg3: memref<2x5x2000xf32, #tpu.memory_space<vmem>>, %arg4: memref<1x128xf32, #tpu.memory_space<vmem>>, %arg5: memref<2000x128xf32, #tpu.memory_space<vmem>>) attributes {dimension_semantics = [#tpu.dimension_semantics<arbitrary>], iteration_bounds = array<i64: 5>, scalar_prefetch = 0 : i64, scratch_operands = 0 : i64, tpu.core_type = #tpu.core_type<tc>, window_params = [{transform_indices = @transform_0, window_bounds = array<i64: 2, 2000, 64>}, {transform_indices = @transform_1, window_bounds = array<i64: 2, 2000, 64>}, {pipeline_mode = #tpu.pipeline_mode<synchronous>, transform_indices = @transform_2, window_bounds = array<i64: 2, 5, 2000>}, {pipeline_mode = #tpu.pipeline_mode<synchronous>, transform_indices = @transform_3, window_bounds = array<i64: 1, 128>}, {transform_indices = @transform_4, window_bounds = array<i64: 2000, 128>}]} {
    %get3A = arith.constant 0 : index
    %get3A_0 = arith.index_cast %arg0 : i32 to index
    %get3A_1 = arith.constant 0 : index
    %get3A_2 = vector.load %arg3[%get3A, %get3A_0, %get3A_1] : memref<2x5x2000xf32, #tpu.memory_space<vmem>>, vector<1x1x2000xf32>
    %get3A_3 = vector.shape_cast %get3A_2 : vector<1x1x2000xf32> to vector<1x2000xf32>
    %squeeze3A = vector.shape_cast %get3A_3 : vector<1x2000xf32> to vector<2000xf32>
    %get3A_4 = arith.constant 1 : index
    %get3A_5 = arith.index_cast %arg0 : i32 to index
    %get3A_6 = arith.constant 0 : index
    %get3A_7 = vector.load %arg3[%get3A_4, %get3A_5, %get3A_6] : memref<2x5x2000xf32, #tpu.memory_space<vmem>>, vector<1x1x2000xf32>
    %get3A_8 = vector.shape_cast %get3A_7 : vector<1x1x2000xf32> to vector<1x2000xf32>
    %squeeze3A_9 = vector.shape_cast %get3A_8 : vector<1x2000xf32> to vector<2000xf32>
    %add3A = arith.addf %squeeze3A, %squeeze3A_9 : vector<2000xf32>
    %add3A_10 = arith.constant 1.000000e+00 : f32
    %add3A_11 = vector.broadcast %add3A_10 : f32 to vector<2000xf32>
    %add3A_12 = arith.addf %add3A, %add3A_11 : vector<2000xf32>
    %rsqrt3A = math.rsqrt %add3A_12 : vector<2000xf32>
    %get3A_13 = arith.constant 0 : index
    %get3A_14 = arith.constant 0 : index
    %get3A_15 = arith.constant 0 : index
    %get3A_16 = vector.load %arg1[%get3A_13, %get3A_14, %get3A_15] : memref<2x2000x64xf32, #tpu.memory_space<vmem>>, vector<1x2000x64xf32>
    %get3A_17 = vector.shape_cast %get3A_16 : vector<1x2000x64xf32> to vector<2000x64xf32>
    %get3A_18 = arith.constant 0 : index
    %get3A_19 = arith.constant 0 : index
    %get3A_20 = arith.constant 0 : index
    %get3A_21 = vector.load %arg2[%get3A_18, %get3A_19, %get3A_20] : memref<2x2000x64xf32, #tpu.memory_space<vmem>>, vector<1x2000x64xf32>
    %get3A_22 = vector.shape_cast %get3A_21 : vector<1x2000x64xf32> to vector<2000x64xf32>
    %add3A_23 = arith.addf %get3A_17, %get3A_22 : vector<2000x64xf32>
    %get3A_24 = arith.constant 1 : index
    %get3A_25 = arith.constant 0 : index
    %get3A_26 = arith.constant 0 : index
    %get3A_27 = vector.load %arg1[%get3A_24, %get3A_25, %get3A_26] : memref<2x2000x64xf32, #tpu.memory_space<vmem>>, vector<1x2000x64xf32>
    %get3A_28 = vector.shape_cast %get3A_27 : vector<1x2000x64xf32> to vector<2000x64xf32>
    %get3A_29 = arith.constant 1 : index
    %get3A_30 = arith.constant 0 : index
    %get3A_31 = arith.constant 0 : index
    %get3A_32 = vector.load %arg2[%get3A_29, %get3A_30, %get3A_31] : memref<2x2000x64xf32, #tpu.memory_space<vmem>>, vector<1x2000x64xf32>
    %get3A_33 = vector.shape_cast %get3A_32 : vector<1x2000x64xf32> to vector<2000x64xf32>
    %add3A_34 = arith.addf %get3A_28, %get3A_33 : vector<2000x64xf32>
    %concatenate3A = tpu.concatenate %add3A_23, %add3A_34 in 1 : vector<2000x64xf32>, vector<2000x64xf32> -> vector<2000x128xf32>
    %broadcast_in_dim3A = vector.shape_cast %rsqrt3A : vector<2000xf32> to vector<2000x1xf32>
    %mul3A = vector.broadcast %broadcast_in_dim3A : vector<2000x1xf32> to vector<2000x128xf32>
    %mul3A_35 = arith.mulf %concatenate3A, %mul3A : vector<2000x128xf32>
    %get3A_36 = arith.constant 0 : index
    %get3A_37 = arith.constant 0 : index
    %get3A_38 = vector.load %arg4[%get3A_36, %get3A_37] : memref<1x128xf32, #tpu.memory_space<vmem>>, vector<1x128xf32>
    %get3A_39 = vector.shape_cast %get3A_38 : vector<1x128xf32> to vector<128xf32>
    %broadcast_in_dim3A_40 = vector.shape_cast %get3A_39 : vector<128xf32> to vector<1x128xf32>
    %add3A_41 = vector.broadcast %broadcast_in_dim3A_40 : vector<1x128xf32> to vector<2000x128xf32>
    %add3A_42 = arith.addf %mul3A_35, %add3A_41 : vector<2000x128xf32>
    %swap3A = arith.constant 0 : index
    %swap3A_43 = arith.constant 0 : index
    %swap3A_44 = vector.load %arg5[%swap3A, %swap3A_43] : memref<2000x128xf32, #tpu.memory_space<vmem>>, vector<2000x128xf32>
    tpu.vector_store %arg5[%swap3A, %swap3A_43], %add3A_42 {strides = array<i32>} : memref<2000x128xf32, #tpu.memory_space<vmem>>, vector<2000x128xf32>,
    return
  }
  func.func @transform_0(%arg0: i32) -> (i32, i32, i32) {
    %c0_i32 = arith.constant 0 : i32
    %c0_i32_0 = arith.constant 0 : i32
    %c0_i32_1 = arith.constant 0 : i32
    return %c0_i32, %arg0, %c0_i32_0 : i32, i32, i32
  }
  func.func @transform_1(%arg0: i32) -> (i32, i32, i32) {
    %c0_i32 = arith.constant 0 : i32
    %c0_i32_0 = arith.constant 0 : i32
    %c0_i32_1 = arith.constant 0 : i32
    return %c0_i32, %arg0, %c0_i32_0 : i32, i32, i32
  }
  func.func @transform_2(%arg0: i32) -> (i32, i32, i32) {
    %c0_i32 = arith.constant 0 : i32
    %c0_i32_0 = arith.constant 0 : i32
    %c0_i32_1 = arith.constant 0 : i32
    %c0_i32_2 = arith.constant 0 : i32
    return %c0_i32, %c0_i32_0, %c0_i32_1 : i32, i32, i32
  }
  func.func @transform_3(%arg0: i32) -> (i32, i32) {
    %c0_i32 = arith.constant 0 : i32
    %c0_i32_0 = arith.constant 0 : i32
    %c0_i32_1 = arith.constant 0 : i32
    return %c0_i32, %c0_i32_0 : i32, i32
  }
  func.func @transform_4(%arg0: i32) -> (i32, i32) {
    %c0_i32 = arith.constant 0 : i32
    %c0_i32_0 = arith.constant 0 : i32
    return %arg0, %c0_i32 : i32, i32
  }
}

</mosaic_0001>

<sc_bundles>
// kernel: kernel.6.cloned.1.call-start
scs
__scs_entry_jumppad:
0x0: {  	(pc) =	sbr.rel $0x88, $3  }
0x1: {  	(tag) =	ssettag $0x0;
	lr =	simm.s32 $0x1  }
0x2: {  	[smem:$0x3F9D] =	sst lr;
	_ =	strace $0xD0000000  }
0x3: {  	_ = 	snop  }
0x4: {  	_ = 	snop  }
0x5: {  	_ = 	snop  }
0x6: {  	_ = 	snop  }
0x7: {  	_ = 	snop  }
__scs_overlays_trampoline_lowered:
0x8: {  	[smem:$0x3FAC] =	sst s0  }
0x9: {  	[smem:$0x3FAD] =	sst s1  }
0xa: {  	[smem:$0x3FAE] =	sst s2  }
0xb: {  	[smem:$0x3FAF] =	sst s3  }
0xc: {  	[smem:$0x3FB0] =	sst s4  }
0xd: {  	[smem:$0x3FB1] =	sst s5  }
0xe: {  	[smem:$0x3FB2] =	sst s6  }
0xf: {  	[smem:$0x3FB3] =	sst s7  }
0x10: {  	[smem:$0x3FB4] =	sst s8  }
0x11: {  	[smem:$0x3FB5] =	sst s9;
	s0 =	simm.s32 @!p0 $0x0  }
0x12: {  	s1 =	sld [smem:$0x3F9B];
	s0 =	simm.s32 @p0 $0x1  }
0x13: {  	[smem:$0x3FB6] =	sst s0;
	s0 =	simm.s32 @!p1 $0x0  }
0x14: {  	s2 =	sld [smem:$0x3F9A];
	s0 =	simm.s32 @p1 $0x1  }
0x15: {  	[smem:$0x3FB7] =	sst s0;
	s0 =	simm.s32 @!p2 $0x0  }
0x16: {  	s3 =	sld [smem:$0x3FDB];
	s0 =	simm.s32 @p2 $0x1  }
0x17: {  	s4 =	simm.s32 $0x1BF5;
	[smem:$0x3FB9] =	sst s0  }
0x18: {  	s0 =	sld [smem:$0x3F9C];
	_ =	swait.ge [sflag:s4], $0x0  }
0x19: {  	s7 =	sld [smem:$0x3F9D]  }
0x1a: {  	s8 =	sadd.s32 $0xFFFFE003, lr  }
0x1b: {  	s9 =	sadd.s32 $0xFFFFFEF7, lr;
	s5 =	simm.s32 $0xFFFFFFFF;
	p2 =	slt.u32 s8, $0xFFFFF086  }
0x1c: {  	p1 =	slt.u32 s9, $0xF7A;
	s5 =	simm.s32 @!p2 $0x0  }
0x1d: {  	s5 =	simm.s32 @p1 $0x1;
	p0 =	seq.s32 s7, s2  }
0x1e: {  	s7 =	smul.u32 @!p0 $0xF7A, s2;
	p2 =	seq.s32 @!p0 s5, $0x0  }
0x1f: {  	s9 =	smul.u32 $0xF7A, s1;
	s8 =	simm.s32 @!p0 $0x1BF5;
	p2 =	por !p2, p0  }
0x20: {  	[sflag:s8] =	ssyncset.s32 @!p0 $0xFFFFF086;
	s6 =	sadd.s32 @!p0 s3, s7;
	s7 =	simm.s32 @!p0 $0x108  }
0x21: {  	s3 =	sadd.s32 s3, s9;
	s6 =	sadd.s32 @!p0 $0x88, s6;
	s7 =	simm.s32 @p2 $0x1082  }
0x22: {  	[simem:s7], [sflag:s8] =	dma.local @!p0 [hbm:s6], $0xF7A  }
0x23: {  	s9 =	sor.u32 $0xD0000000, s2;
	s6 =	simm.s32 $0x108;
	_ =	swait.ge @!p0 [sflag:s8], $0x0  }
0x24: {  	s3 =	sadd.s32 $0x88, s3;
	s6 =	simm.s32 @!p1 $0x1082;
	[sflag:s4] =	ssyncset.s32 $0xFFFFF086  }
0x25: {  	[simem:s6], [sflag:s4] =	dma.local [hbm:s3], $0xF7A  }
0x26: {  	[smem:$0x3F9D] =	sst s1;
	(tag) =	ssettag s2;
	_ =	strace s9  }
0x27: {  	s1 =	sld [smem:$0x3FAD]  }
0x28: {  	s2 =	sld [smem:$0x3FAE]  }
0x29: {  	s4 =	sld [smem:$0x3FB0]  }
0x2a: {  	p0 =	seq.s32 s5, $0x0;
	s5 =	sld [smem:$0x3FB1]  }
0x2b: {  	s6 =	sld [smem:$0x3FB2]  }
0x2c: {  	s7 =	sld [smem:$0x3FB3]  }
0x2d: {  	s3 =	simm.s32 $0x108;
	s8 =	sld [smem:$0x3FB4]  }
0x2e: {  	s3 =	simm.s32 @!p0 $0x1082;
	s9 =	sld [smem:$0x3FB5]  }
0x2f: {  	lr =	sadd.s32 s0, s3;
	s0 =	sld [smem:$0x3FAC]  }
0x30: {  	s3 =	sld [smem:$0x3FAF]  }
0x31: {  	[smem:$0x3FB8] =	sst s10  }
0x32: {  	s10 =	sld [smem:$0x3FB6];
	_ =	sdelay $0x3  }
0x33: {  	p0 =	seq.s32 s10, $0x1;
	s10 =	sld [smem:$0x3FB8];
	_ =	sdelay $0x3  }
0x34: {  	[smem:$0x3FB8] =	sst s10  }
0x35: {  	s10 =	sld [smem:$0x3FB7];
	_ =	sdelay $0x3  }
0x36: {  	p1 =	seq.s32 s10, $0x1;
	s10 =	sld [smem:$0x3FB8];
	_ =	sdelay $0x3  }
0x37: {  	[smem:$0x3FB8] =	sst s10  }
0x38: {  	s10 =	sld [smem:$0x3FB9]  }
0x39: {  	_ = 	snop;
	(pc) =	sbr.ind lr, $3  }
0x3a: {  	_ = 	snop  }
0x3b: {  	_ = 	snop  }
0x3c: {  	p2 =	seq.s32 s10, $0x1;
	s10 =	sld [smem:$0x3FB8]  }
0x3d: {  	_ =	shalt  }
0x3e: {  	_ =	shalt  }
0x3f: {  	_ =	shalt  }
0x40: {  	_ =	shalt  }
0x41: {  	_ =	shalt  }
0x42: {  	_ =	shalt  }
0x43: {  	_ =	shalt  }
0x44: {  	_ =	shalt  }
0x45: {  	_ =	shalt  }
0x46: {  	_ =	shalt  }
0x47: {  	_ =	shalt  }
0x48: {  	_ =	shalt  }
0x49: {  	_ =	shalt  }
0x4a: {  	_ =	shalt  }
0x4b: {  	_ =	shalt  }
0x4c: {  	_ =	shalt  }
0x4d: {  	_ =	shalt  }
0x4e: {  	_ =	shalt  }
0x4f: {  	_ =	shalt  }
0x50: {  	_ =	shalt  }
0x51: {  	_ =	shalt  }
0x52: {  	_ =	shalt  }
0x53: {  	_ =	shalt  }
0x54: {  	_ =	shalt  }
0x55: {  	_ =	shalt  }
0x56: {  	_ =	shalt  }
0x57: {  	_ =	shalt  }
0x58: {  	_ =	shalt  }
0x59: {  	_ =	shalt  }
0x5a: {  	_ =	shalt  }
0x5b: {  	_ =	shalt  }
0x5c: {  	_ =	shalt  }
0x5d: {  	_ =	shalt  }
0x5e: {  	_ =	shalt  }
0x5f: {  	_ =	shalt  }
0x60: {  	_ =	shalt  }
0x61: {  	_ =	shalt  }
0x62: {  	_ =	shalt  }
0x63: {  	_ =	shalt  }
0x64: {  	_ =	shalt  }
0x65: {  	_ =	shalt  }
0x66: {  	_ =	shalt  }
0x67: {  	_ =	shalt  }
0x68: {  	_ =	shalt  }
0x69: {  	_ =	shalt  }
0x6a: {  	_ =	shalt  }
0x6b: {  	_ =	shalt  }
0x6c: {  	_ =	shalt  }
0x6d: {  	_ =	shalt  }
0x6e: {  	_ =	shalt  }
0x6f: {  	_ =	shalt  }
0x70: {  	_ =	shalt  }
0x71: {  	_ =	shalt  }
0x72: {  	_ =	shalt  }
0x73: {  	_ =	shalt  }
0x74: {  	_ =	shalt  }
0x75: {  	_ =	shalt  }
0x76: {  	_ =	shalt  }
0x77: {  	_ =	shalt  }
0x78: {  	_ =	shalt  }
0x79: {  	_ =	shalt  }
0x7a: {  	_ =	shalt  }
0x7b: {  	_ =	shalt  }
0x7c: {  	_ =	shalt  }
0x7d: {  	_ =	shalt  }
0x7e: {  	_ =	shalt  }
0x7f: {  	_ =	shalt  }
0x80: {  	_ =	shalt  }
0x81: {  	_ =	shalt  }
0x82: {  	_ =	shalt  }
0x83: {  	_ =	shalt  }
0x84: {  	_ =	shalt  }
0x85: {  	_ =	shalt  }
0x86: {  	_ =	shalt  }
0x87: {  	_ =	shalt  }
.Lfunc_end0:
.L_simem_size_0:
called_computation_lowered:
.L_overlay_start_0:
0x88: {  	s2 =	sld [smem:$0x3FD9]  }
0x89: {  	s3 =	sld [smem:$0x3FFE];
	_ =	sdelay $0x1  }
0x8a: {  	s1 =	srdreg.scid  }
0x8b: {  	s0 =	sand.u32 $0x1, s1  }
0x8c: {  	s17 =	sshll.u32 s0, $0xA;
	s2 =	sadd.s32 s3, s2  }
0x8d: {  	s2 =	sadd.s32 s2, s17  }
0x8e: {  	[smem:$0x3FC4] =	sst s2  }
0x8f: {  	_ = 	snop  }
0x90: {  	s2 =	sld [smem:$0x3FD0];
	(tm) =	ssettm $0x1  }
0x91: {  	s18 =	sld [smem:$0x3FFB];
	_ =	sdelay $0x3  }
0x92: {  	_ =	strace s18  }
0x93: {  	s3 =	sld [smem:$0x3FFC];
	_ =	sdelay $0x3  }
0x94: {  	_ =	strace s3  }
0x95: {  	s3 =	sld [smem:$0x3FFD];
	_ =	sdelay $0x3  }
0x96: {  	_ =	strace s3  }
0x97: {  	_ =	strace $0x8FFFFFFF  }
0x98: {  	s19 =	sld [smem:$0x3FDB];
	_ =	sdelay $0x1  }
0x99: {  	s4 =	simm.s32 $_scs_section_size  }
0x9a: {  	s5 =	simm.s32 $_size__tile_overlayer_lowered;
	s6 =	simm.s32 $_tile_overlayer_lowered  }
0x9b: {  	s22 =	simm.s32 $0x1BFF;
	s21 =	sshll.u32 s6, $0x1;
	s3 =	sadd.s32 s4, s19  }
0x9c: {  	s7 =	simm.s32 $0x0;
	s20 =	sshll.u32 s5, $0x1;
	s5 =	sadd.s32 s21, s3  }
0x9d: {  	[timem:s7], [sflag:s22] =	dma.local [hbm:s5], s20  }
0x9e: {  	_ =	swait.ge [sflag:s22], s20  }
0x9f: {  	s4 =	ssub.s32 $0x0, s20;
	[sflag:s22] =	ssyncset.done $0x0  }
0xa0: {  	[sflag:s22] =	ssyncadd.s32 s4;
	_ =	sdelay $0x1  }
0xa1: {  	s23 =	simm.s32 $0x1B8B  }
0xa2: {  	_ =	swait.ge [sflag:s23], $0x1  }
0xa3: {  	[sflag:s23] =	ssyncset.done $0x0  }
0xa4: {  	s25 =	simm.s32 $0x1B8E;
	s24 =	sld [smem:$0x3FFE];
	[sflag:s23] =	ssyncadd.s32 $0xFFFFFFFF  }
0xa5: {  	s26 =	simm.s32 $execute0_lowered;
	[smem:$0x3FD2] =	sst s25  }
0xa6: {  	s5 =	sshll.u32 s26, $0x1;
	_ =	strace $0x80000046;
	[dreg:$0x1] =	wrdreg $0xFFFFFFFF  }
0xa7: {  	s28 =	simm.s32 $_size_execute0_lowered;
	s3 =	sadd.s32 s3, s5;
	[dreg:$0x0] =	wrdreg $0x0  }
0xa8: {  	s5 =	sshll.u32 s28, $0x1;
	[dreg:$0x2] =	wrdreg s3  }
0xa9: {  	[dreg:$0x3] =	wrdreg s5  }
0xaa: {  	[dreg:$0x4] =	wrdreg $0xC0  }
0xab: {  	_ =	task [dreg:s7], $0x5FFFF  }
0xac: {  	[dreg:$0x1] =	wrdreg $0xFFFFFFFF  }
0xad: {  	[dreg:$0x0] =	wrdreg $0x60  }
0xae: {  	[dreg:$0x2] =	wrdreg s24  }
0xaf: {  	[dreg:$0x3] =	wrdreg s2  }
0xb0: {  	[dreg:$0x4] =	wrdreg $0x29E00  }
0xb1: {  	[dreg:$0x5] =	wrdreg $0x9  }
0xb2: {  	_ =	task.clear_ibuf [dreg:s7], $0x6FFFF;
	_ =	strace $0x90000046  }
0xb3: {  	s29 =	simm.s32 $0x9;
	_ =	strace $0x80000048  }
0xb4: {  	_ =	swait.ge [sflag:s29], $0x1  }
0xb5: {  	[sflag:s29] =	ssyncadd.s32 $0xFFFFFFFF  }
0xb6: {  	_ =	strace $0x90000048  }
0xb7: {  	_ =	sfence  }
0xb8: {  	s30 =	sld [smem:$0x0];
	_ =	sdelay $0x2  }
0xb9: {  	s31 =	sshll.u32 s1, $0xD;
	s1 =	sshrl.u32 s1, $0x2  }
0xba: {  	s3 =	sand.u32 $0x4000, s31;
	s1 =	sadd.s32 s1, s30  }
0xbb: {  	s0 =	sor.u32 s3, s0;
	s1 =	sshll.u32 s1, $0x11  }
0xbc: {  	s0 =	sor.u32 s1, s0  }
0xbd: {  	s0 =	sadd.s32 $0x8F2B, s0  }
0xbe: {  	[sflag:s0] =	ssyncadd.remote.s32 $0x1  }
0xbf: {  	_ =	sfence.sel $0xFFFF  }
0xc0: {  	[dreg:$0x0] =	wrdreg $0xFFFFFFFF;
	(pc) =	sbr.abs _section_cstart, $3  }
0xc1: {  	[dreg:$0x1] =	wrdreg $0xFFFFFFFF  }
0xc2: {  	_ =	task.clear_ibuf [dreg:s7], $0x2FFFF;
	_ =	strace $0x9FFFFFFF  }
0xc3: {  	(tm) =	ssettm $0x7FFFFFFF  }
tec
execute0_lowered:
.L_overlay_start_1:
0x0: {  	(tag) =	ssettag $0x1  }
0x1: {  	s6 =	rddreg [dreg:$0x0]  }
0x2: {  	s8 =	rddreg [dreg:$0x1]  }
0x3: {  	s0 =	srdreg.scid;
	s2 =	rddreg [dreg:$0x2];
	s7 =	simm.s32 $0x1  }
0x4: {  	s3 =	simm.s32 $0x0;
	s9 =	simm.s32 $0x2710;
	s5 =	sand.u32 $0x1, s0  }
0x5: {  	s15 =	simm.s32 $0x0;
	s0 =	stileid.u32;
	s1 =	sshll.u32 s5, $0x4  }
0x6: {  	[smem:$0x7FF] =	sst s3;
	s29 =	sand.u32 $0x1, s0;
	s4 =	sor.u32 s0, s1  }
0x7: {  	s10 =	smul.u32 $0x280, s0;
	p0 =	seq.s32 s29, $0x1;
	p1 =	seq.s32 s4, $0x0  }
0x8: {  	s30 =	ssub.s32 $0x2, s5;
	s11 =	smul.u32 $0x2800, s5;
	p1 =	por !p1, !p0  }
0x9: {  	s5 =	simm.s32 $0x2710;
	s13 =	sshll.u32 s0, $0x6;
	p1 =	por !p1, !p1  }
0xa: {  	s1 =	rddreg [dreg:$0x3];
	s4 =	sshrl.u32 s4, $0x1;
	s7 =	simm.s32 @!p1 $0x0  }
0xb: {  	_ =	strace $0x80000047;
	s12 =	sshrl.u32 s30, $0x1;
	s4 =	ssub.s32 s4, s7  }
0xc: {  	s13 =	sor.u32 $0x1C02, s13;
	s11 =	sadd.s32 s10, s11;
	s7 =	smul.u32 $0x4E20, s4  }
0xd: {  	s9 =	simm.s32 @!p0 $0x0;
	s31 =	sshrl.u32 s11, $0x3;
	s11 =	simm.s32 $0x2  }
0xe: {  	s8 =	sadd.s32 s8, s31;
	s4 =	simm.s32 $0x1;
	s7 =	sadd.s32 s9, s7  }
0xf: {  	s9 =	ssub.s32 s30, s12;
	s12 =	simm.s32 $0x50;
	s7 =	sshrl.u32 s7, $0x3  }
0x10: {  	s9 =	smax.u32 s9, $0x1;
	s7 =	sadd.s32 s7, s6;
	s6 =	sadd.s32 s10, s2  }
0x11: {  	v0 =	vimm.f32 $0.0e+00;
	v1 =	vimm.f32 $1.000000000e+00;
	s10 =	simm.s32 $0x2760;
	s7 =	sadd.s32 $0x600, s7;
	s14 =	sshrl.u32 s6, $0x3  }
.LBB2_1:
0x12: {  	[tilespmem:$0x2760] =	vst v0  }
0x13: {  	[tilespmem:$0x2770] =	vst v0  }
0x14: {  	[tilespmem:$0x2780] =	vst v0  }
0x15: {  	[tilespmem:$0x2790] =	vst v0  }
0x16: {  	[tilespmem:$0x27A0] =	vst v0  }
0x17: {  	[tilespmem:$0x27B0] =	vst v0  }
0x18: {  	[tilespmem:$0x27C0] =	vst v0  }
0x19: {  	[tilespmem:$0x27D0] =	vst v0  }
0x1a: {  	[tilespmem:$0x27E0] =	vst v0  }
0x1b: {  	[tilespmem:$0x27F0] =	vst v0  }
0x1c: {  	[tilespmem:$0x2800] =	vst v0  }
0x1d: {  	[tilespmem:$0x2810] =	vst v0  }
0x1e: {  	[tilespmem:$0x2820] =	vst v0  }
0x1f: {  	[tilespmem:$0x2830] =	vst v0  }
0x20: {  	[tilespmem:$0x2840] =	vst v0  }
0x21: {  	[tilespmem:$0x2850] =	vst v0  }
0x22: {  	[tilespmem:$0x2860] =	vst v0  }
0x23: {  	[tilespmem:$0x2870] =	vst v0  }
0x24: {  	[tilespmem:$0x2880] =	vst v0  }
0x25: {  	[tilespmem:$0x2890] =	vst v0  }
0x26: {  	[tilespmem:$0x28A0] =	vst v0  }
0x27: {  	[tilespmem:$0x28B0] =	vst v0  }
0x28: {  	[tilespmem:$0x28C0] =	vst v0  }
0x29: {  	[tilespmem:$0x28D0] =	vst v0  }
0x2a: {  	[tilespmem:$0x28E0] =	vst v0  }
0x2b: {  	[tilespmem:$0x28F0] =	vst v0  }
0x2c: {  	[tilespmem:$0x2900] =	vst v0  }
0x2d: {  	[tilespmem:$0x2910] =	vst v0  }
0x2e: {  	[tilespmem:$0x2920] =	vst v0  }
0x2f: {  	[tilespmem:$0x2930] =	vst v0  }
0x30: {  	[tilespmem:$0x2940] =	vst v0  }
0x31: {  	[tilespmem:$0x2950] =	vst v0  }
0x32: {  	[tilespmem:$0x2960] =	vst v0  }
0x33: {  	[tilespmem:$0x2970] =	vst v0  }
0x34: {  	[tilespmem:$0x2980] =	vst v0  }
0x35: {  	[tilespmem:$0x2990] =	vst v0  }
0x36: {  	[tilespmem:$0x29A0] =	vst v0  }
0x37: {  	[tilespmem:$0x29B0] =	vst v0  }
0x38: {  	[tilespmem:$0x29C0] =	vst v0  }
0x39: {  	[tilespmem:$0x29D0] =	vst v0  }
0x3a: {  	[tilespmem:$0x2710] =	vst v1  }
0x3b: {  	[tilespmem:$0x2720] =	vst v1  }
0x3c: {  	[tilespmem:$0x2730] =	vst v1  }
0x3d: {  	[tilespmem:$0x2740] =	vst v1  }
0x3e: {  	[tilespmem:$0x2750] =	vst v1  }
0x3f: {  	[spmem:s6] =	stream.linear.scatter [tilespmem:s10], [sflag:$0x2], $0x280, $0x38;
	[tilespmem:$0x2C60] =	vst v63  }
0x40: {  	_ =	swait.ge [sflag:s11], $0x280  }
0x41: {  	[sflag:s11] =	ssyncset.done $0x0  }
0x42: {  	[sflag:s11] =	ssyncadd.s32 $0xFFFFFD80  }
0x43: {  	[tilespmem:s3], [sflag:$0x2] =	stream.linear.gather [hbm4b:s7+s3], $0x2710, $0x38;
	[tilespmem:$0x2C60] =	vst v63  }
0x44: {  	_ =	swait.ge [sflag:s11], $0x2710  }
0x45: {  	[sflag:s11] =	ssyncset.done $0x0  }
0x46: {  	p0 =	por $0x1, $0x1;
	[sflag:s11] =	ssyncadd.s32 $0xFFFFD8F0  }
0x47: {  	s18 =	simm.s32 @!p0 $0x1;
	[bflag:$0x0] =	sbarrier.arrive $0xFFFF  }
0x48: {  	[spmem:s2] =	stream.indirect.scatter.add.f32 [tilespmem:s5], [sflag:$0x1], $0x1, s3, s12, $0xb8;
	[tilespmem:$0x2C60] =	vst v63  }
0x49: {  	_ =	swait.ge @!p0 [sflag:s18], $0x50  }
0x4a: {  	s16 =	simm.s32 $0x1;
	s17 =	simm.s32 $0x0;
	[sflag:s18] =	ssyncset.done @!p0 $0x0  }
.LBB2_2:
0x4b: {  	[sflag:s18] =	ssyncadd.s32 @!p0 $0xFFFFFFB0  }
0x4c: {  	s17 =	sadd.s32 $0x50, s17;
	s18 =	smov.u32 s16;
	s16 =	sadd.s32 $0x1, s16  }
0x4d: {  	p1 =	sne.s32 s16, $0x7D  }
0x4e: {  	[spmem:s2] =	stream.indirect.scatter.add.f32 [tilespmem:s5], [sflag:$0x1], $0x1, s17, s12, $0xb8;
	[tilespmem:$0x2C60] =	vst v63  }
.Ltmp0:
0x4f: {  	_ = 	snop;
	(pc) =	sbr.rel @p1 .LBB2_2-.Ltmp0, $4  }
0x50: {  	p0 =	slt.u32 s18, $0x20  }
0x51: {  	s18 =	simm.s32 @!p0 $0x1  }
0x52: {  	_ =	swait.ge @!p0 [sflag:s18], $0x50  }
0x53: {  	[sflag:s18] =	ssyncset.done @!p0 $0x0  }
0x54: {  	[sflag:s18] =	ssyncadd.s32 @!p0 $0xFFFFFFB0  }
0x55: {  	_ =	swait.ge [sflag:s4], $0x50  }
0x56: {  	[sflag:s4] =	ssyncset.done $0x0  }
0x57: {  	[sflag:s4] =	ssyncadd.s32 $0xFFFFFFB0  }
0x58: {  	_ =	swait.ge [sflag:s4], $0x50  }
0x59: {  	[sflag:s4] =	ssyncset.done $0x0  }
0x5a: {  	[sflag:s4] =	ssyncadd.s32 $0xFFFFFFB0  }
0x5b: {  	_ =	swait.ge [sflag:s4], $0x50  }
0x5c: {  	[sflag:s4] =	ssyncset.done $0x0  }
0x5d: {  	[sflag:s4] =	ssyncadd.s32 $0xFFFFFFB0  }
0x5e: {  	_ =	swait.ge [sflag:s4], $0x50  }
0x5f: {  	[sflag:s4] =	ssyncset.done $0x0  }
0x60: {  	[sflag:s4] =	ssyncadd.s32 $0xFFFFFFB0  }
0x61: {  	_ =	swait.ge [sflag:s4], $0x50  }
0x62: {  	[sflag:s4] =	ssyncset.done $0x0  }
0x63: {  	[sflag:s4] =	ssyncadd.s32 $0xFFFFFFB0  }
0x64: {  	_ =	swait.ge [sflag:s4], $0x50  }
0x65: {  	[sflag:s4] =	ssyncset.done $0x0  }
0x66: {  	[sflag:s4] =	ssyncadd.s32 $0xFFFFFFB0  }
0x67: {  	_ =	swait.ge [sflag:s4], $0x50  }
0x68: {  	[sflag:s4] =	ssyncset.done $0x0  }
0x69: {  	[sflag:s4] =	ssyncadd.s32 $0xFFFFFFB0  }
0x6a: {  	_ =	swait.ge [sflag:s4], $0x50  }
0x6b: {  	[sflag:s4] =	ssyncset.done $0x0  }
0x6c: {  	[sflag:s4] =	ssyncadd.s32 $0xFFFFFFB0  }
0x6d: {  	_ =	swait.ge [sflag:s4], $0x50  }
0x6e: {  	[sflag:s4] =	ssyncset.done $0x0  }
0x6f: {  	[sflag:s4] =	ssyncadd.s32 $0xFFFFFFB0  }
0x70: {  	_ =	swait.ge [sflag:s4], $0x50  }
0x71: {  	[sflag:s4] =	ssyncset.done $0x0  }
0x72: {  	[sflag:s4] =	ssyncadd.s32 $0xFFFFFFB0  }
0x73: {  	_ =	swait.ge [sflag:s4], $0x50  }
0x74: {  	[sflag:s4] =	ssyncset.done $0x0  }
0x75: {  	[sflag:s4] =	ssyncadd.s32 $0xFFFFFFB0  }
0x76: {  	_ =	swait.ge [sflag:s4], $0x50  }
0x77: {  	[sflag:s4] =	ssyncset.done $0x0  }
0x78: {  	[sflag:s4] =	ssyncadd.s32 $0xFFFFFFB0  }
0x79: {  	_ =	swait.ge [sflag:s4], $0x50  }
0x7a: {  	[sflag:s4] =	ssyncset.done $0x0  }
0x7b: {  	[sflag:s4] =	ssyncadd.s32 $0xFFFFFFB0  }
0x7c: {  	_ =	swait.ge [sflag:s4], $0x50  }
0x7d: {  	[sflag:s4] =	ssyncset.done $0x0  }
0x7e: {  	[sflag:s4] =	ssyncadd.s32 $0xFFFFFFB0  }
0x7f: {  	_ =	swait.ge [sflag:s4], $0x50  }
0x80: {  	[sflag:s4] =	ssyncset.done $0x0  }
0x81: {  	[sflag:s4] =	ssyncadd.s32 $0xFFFFFFB0  }
0x82: {  	_ =	swait.ge [sflag:s4], $0x50  }
0x83: {  	[sflag:s4] =	ssyncset.done $0x0  }
0x84: {  	[sflag:s4] =	ssyncadd.s32 $0xFFFFFFB0  }
0x85: {  	_ =	swait.ge [sflag:s4], $0x50  }
0x86: {  	[sflag:s4] =	ssyncset.done $0x0  }
0x87: {  	[sflag:s4] =	ssyncadd.s32 $0xFFFFFFB0  }
0x88: {  	_ =	swait.ge [sflag:s4], $0x50  }
0x89: {  	[sflag:s4] =	ssyncset.done $0x0  }
0x8a: {  	[sflag:s4] =	ssyncadd.s32 $0xFFFFFFB0  }
0x8b: {  	_ =	swait.ge [sflag:s4], $0x50  }
0x8c: {  	[sflag:s4] =	ssyncset.done $0x0  }
0x8d: {  	[sflag:s4] =	ssyncadd.s32 $0xFFFFFFB0  }
0x8e: {  	_ =	swait.ge [sflag:s4], $0x50  }
0x8f: {  	[sflag:s4] =	ssyncset.done $0x0  }
0x90: {  	[sflag:s4] =	ssyncadd.s32 $0xFFFFFFB0  }
0x91: {  	_ =	swait.ge [sflag:s4], $0x50  }
0x92: {  	[sflag:s4] =	ssyncset.done $0x0  }
0x93: {  	[sflag:s4] =	ssyncadd.s32 $0xFFFFFFB0  }
0x94: {  	_ =	swait.ge [sflag:s4], $0x50  }
0x95: {  	[sflag:s4] =	ssyncset.done $0x0  }
0x96: {  	[sflag:s4] =	ssyncadd.s32 $0xFFFFFFB0  }
0x97: {  	_ =	swait.ge [sflag:s4], $0x50  }
0x98: {  	[sflag:s4] =	ssyncset.done $0x0  }
0x99: {  	[sflag:s4] =	ssyncadd.s32 $0xFFFFFFB0  }
0x9a: {  	_ =	swait.ge [sflag:s4], $0x50  }
0x9b: {  	[sflag:s4] =	ssyncset.done $0x0  }
0x9c: {  	[sflag:s4] =	ssyncadd.s32 $0xFFFFFFB0  }
0x9d: {  	_ =	swait.ge [sflag:s4], $0x50  }
0x9e: {  	[sflag:s4] =	ssyncset.done $0x0  }
0x9f: {  	[sflag:s4] =	ssyncadd.s32 $0xFFFFFFB0  }
0xa0: {  	_ =	swait.ge [sflag:s4], $0x50  }
0xa1: {  	[sflag:s4] =	ssyncset.done $0x0  }
0xa2: {  	[sflag:s4] =	ssyncadd.s32 $0xFFFFFFB0  }
0xa3: {  	_ =	swait.ge [sflag:s4], $0x50  }
0xa4: {  	[sflag:s4] =	ssyncset.done $0x0  }
0xa5: {  	[sflag:s4] =	ssyncadd.s32 $0xFFFFFFB0  }
0xa6: {  	_ =	swait.ge [sflag:s4], $0x50  }
0xa7: {  	[sflag:s4] =	ssyncset.done $0x0  }
0xa8: {  	[sflag:s4] =	ssyncadd.s32 $0xFFFFFFB0  }
0xa9: {  	_ =	swait.ge [sflag:s4], $0x50  }
0xaa: {  	[sflag:s4] =	ssyncset.done $0x0  }
0xab: {  	[sflag:s4] =	ssyncadd.s32 $0xFFFFFFB0  }
0xac: {  	_ =	swait.ge [sflag:s4], $0x50  }
0xad: {  	[sflag:s4] =	ssyncset.done $0x0  }
0xae: {  	[sflag:s4] =	ssyncadd.s32 $0xFFFFFFB0  }
0xaf: {  	_ =	swait.ge [sflag:s4], $0x50  }
0xb0: {  	[sflag:s4] =	ssyncset.done $0x0  }
0xb1: {  	[sflag:s4] =	ssyncadd.s32 $0xFFFFFFB0  }
0xb2: {  	_ =	swait.ge [sflag:s4], $0x50  }
0xb3: {  	s15 =	sadd.s32 $0x1, s15;
	[sflag:s4] =	ssyncset.done $0x0  }
0xb4: {  	p0 =	sne.s32 s15, s9;
	[sflag:s4] =	ssyncadd.s32 $0xFFFFFFB0  }
.Ltmp1:
0xb5: {  	[bflag:$0x0] =	sbarrier.arrive $0xFFFF;
	(pc) =	sbr.rel @p0 .LBB2_1-.Ltmp1, $4  }
0xb6: {  	[hbm:s8], [sflag:s13] =	dma.local [spmem:s14], $0x50  }
0xb7: {  	_ =	swait.ge [sflag:s11], $0x50  }
0xb8: {  	[sflag:s11] =	ssyncset.done $0x0  }
0xb9: {  	[sflag:s11] =	ssyncadd.s32 $0xFFFFFFB0  }
0xba: {  	_ =	sfence.sel $0x180000  }
0xbb: {  	[bflag:$0x0] =	sbarrier.arrive $0xFFFF  }
0xbc: {  	p0 =	sne.s32 s0, $0x0;
	_ =	strace $0x90000047  }
0xbd: {  	s0 =	sadd.s32 @!p0 $0x100000, s1;
	[bflag:$0x2] =	sbarrier.arrive $0xFFFF  }
0xbe: {  	[sflag:s0] =	ssyncadd.tile.s32 @!p0 $0x1;
	_ =	shalt  }
.Lfunc_end2:
_tile_overlayer_lowered:
.L_overlay_start_2:
0xbf: {  	(tag) =	ssettag $0x2  }
0xc0: {  	s0 =	rddreg [dreg:$0x0];
	s2 =	stileid.u32  }
0xc1: {  	s1 =	rddreg [dreg:$0x1];
	p0 =	sne.s32 s2, $0x0  }
0xc2: {  	s3 =	rddreg [dreg:$0x2];
	[bflag:$0x3] =	sbarrier.arrive $0xFFFF;
	s2 =	simm.s32 @!p0 $0x1C02  }
0xc3: {  	[timem:s3], [sflag:s2] =	dma.local @!p0 [hbm:s0], s1  }
0xc4: {  	s0 =	simm.s32 @!p0 $0x2  }
0xc5: {  	_ =	swait.ge @!p0 [sflag:s0], s1  }
0xc6: {  	s1 =	ssub.s32 @!p0 $0x0, s1;
	[sflag:s0] =	ssyncset.done @!p0 $0x0  }
0xc7: {  	[sflag:s0] =	ssyncadd.s32 @!p0 s1  }
0xc8: {  	[bflag:$0x3] =	sbarrier.arrive $0xFFFF  }
0xc9: {  	_ =	shalt  }

// kernel: kernel.9.cloned.1.call-start
scs
__scs_entry_jumppad:
0x0: {  	(pc) =	sbr.rel $0x88, $3  }
0x1: {  	(tag) =	ssettag $0x0;
	lr =	simm.s32 $0x1  }
0x2: {  	[smem:$0x3F9D] =	sst lr;
	_ =	strace $0xD0000000  }
0x3: {  	_ = 	snop  }
0x4: {  	_ = 	snop  }
0x5: {  	_ = 	snop  }
0x6: {  	_ = 	snop  }
0x7: {  	_ = 	snop  }
__scs_overlays_trampoline_lowered:
0x8: {  	[smem:$0x3FAC] =	sst s0  }
0x9: {  	[smem:$0x3FAD] =	sst s1  }
0xa: {  	[smem:$0x3FAE] =	sst s2  }
0xb: {  	[smem:$0x3FAF] =	sst s3  }
0xc: {  	[smem:$0x3FB0] =	sst s4  }
0xd: {  	[smem:$0x3FB1] =	sst s5  }
0xe: {  	[smem:$0x3FB2] =	sst s6  }
0xf: {  	[smem:$0x3FB3] =	sst s7  }
0x10: {  	[smem:$0x3FB4] =	sst s8  }
0x11: {  	[smem:$0x3FB5] =	sst s9;
	s0 =	simm.s32 @!p0 $0x0  }
0x12: {  	s1 =	sld [smem:$0x3F9B];
	s0 =	simm.s32 @p0 $0x1  }
0x13: {  	[smem:$0x3FB6] =	sst s0;
	s0 =	simm.s32 @!p1 $0x0  }
0x14: {  	s2 =	sld [smem:$0x3F9A];
	s0 =	simm.s32 @p1 $0x1  }
0x15: {  	[smem:$0x3FB7] =	sst s0;
	s0 =	simm.s32 @!p2 $0x0  }
0x16: {  	s3 =	sld [smem:$0x3FDB];
	s0 =	simm.s32 @p2 $0x1  }
0x17: {  	s4 =	simm.s32 $0x1BF5;
	[smem:$0x3FB9] =	sst s0  }
0x18: {  	s0 =	sld [smem:$0x3F9C];
	_ =	swait.ge [sflag:s4], $0x0  }
0x19: {  	s7 =	sld [smem:$0x3F9D]  }
0x1a: {  	s8 =	sadd.s32 $0xFFFFE003, lr  }
0x1b: {  	s9 =	sadd.s32 $0xFFFFFEF7, lr;
	s5 =	simm.s32 $0xFFFFFFFF;
	p2 =	slt.u32 s8, $0xFFFFF086  }
0x1c: {  	p1 =	slt.u32 s9, $0xF7A;
	s5 =	simm.s32 @!p2 $0x0  }
0x1d: {  	s5 =	simm.s32 @p1 $0x1;
	p0 =	seq.s32 s7, s2  }
0x1e: {  	s7 =	smul.u32 @!p0 $0xF7A, s2;
	p2 =	seq.s32 @!p0 s5, $0x0  }
0x1f: {  	s9 =	smul.u32 $0xF7A, s1;
	s8 =	simm.s32 @!p0 $0x1BF5;
	p2 =	por !p2, p0  }
0x20: {  	[sflag:s8] =	ssyncset.s32 @!p0 $0xFFFFF086;
	s6 =	sadd.s32 @!p0 s3, s7;
	s7 =	simm.s32 @!p0 $0x108  }
0x21: {  	s3 =	sadd.s32 s3, s9;
	s6 =	sadd.s32 @!p0 $0x88, s6;
	s7 =	simm.s32 @p2 $0x1082  }
0x22: {  	[simem:s7], [sflag:s8] =	dma.local @!p0 [hbm:s6], $0xF7A  }
0x23: {  	s9 =	sor.u32 $0xD0000000, s2;
	s6 =	simm.s32 $0x108;
	_ =	swait.ge @!p0 [sflag:s8], $0x0  }
0x24: {  	s3 =	sadd.s32 $0x88, s3;
	s6 =	simm.s32 @!p1 $0x1082;
	[sflag:s4] =	ssyncset.s32 $0xFFFFF086  }
0x25: {  	[simem:s6], [sflag:s4] =	dma.local [hbm:s3], $0xF7A  }
0x26: {  	[smem:$0x3F9D] =	sst s1;
	(tag) =	ssettag s2;
	_ =	strace s9  }
0x27: {  	s1 =	sld [smem:$0x3FAD]  }
0x28: {  	s2 =	sld [smem:$0x3FAE]  }
0x29: {  	s4 =	sld [smem:$0x3FB0]  }
0x2a: {  	p0 =	seq.s32 s5, $0x0;
	s5 =	sld [smem:$0x3FB1]  }
0x2b: {  	s6 =	sld [smem:$0x3FB2]  }
0x2c: {  	s7 =	sld [smem:$0x3FB3]  }
0x2d: {  	s3 =	simm.s32 $0x108;
	s8 =	sld [smem:$0x3FB4]  }
0x2e: {  	s3 =	simm.s32 @!p0 $0x1082;
	s9 =	sld [smem:$0x3FB5]  }
0x2f: {  	lr =	sadd.s32 s0, s3;
	s0 =	sld [smem:$0x3FAC]  }
0x30: {  	s3 =	sld [smem:$0x3FAF]  }
0x31: {  	[smem:$0x3FB8] =	sst s10  }
0x32: {  	s10 =	sld [smem:$0x3FB6];
	_ =	sdelay $0x3  }
0x33: {  	p0 =	seq.s32 s10, $0x1;
	s10 =	sld [smem:$0x3FB8];
	_ =	sdelay $0x3  }
0x34: {  	[smem:$0x3FB8] =	sst s10  }
0x35: {  	s10 =	sld [smem:$0x3FB7];
	_ =	sdelay $0x3  }
0x36: {  	p1 =	seq.s32 s10, $0x1;
	s10 =	sld [smem:$0x3FB8];
	_ =	sdelay $0x3  }
0x37: {  	[smem:$0x3FB8] =	sst s10  }
0x38: {  	s10 =	sld [smem:$0x3FB9]  }
0x39: {  	_ = 	snop;
	(pc) =	sbr.ind lr, $3  }
0x3a: {  	_ = 	snop  }
0x3b: {  	_ = 	snop  }
0x3c: {  	p2 =	seq.s32 s10, $0x1;
	s10 =	sld [smem:$0x3FB8]  }
0x3d: {  	_ =	shalt  }
0x3e: {  	_ =	shalt  }
0x3f: {  	_ =	shalt  }
0x40: {  	_ =	shalt  }
0x41: {  	_ =	shalt  }
0x42: {  	_ =	shalt  }
0x43: {  	_ =	shalt  }
0x44: {  	_ =	shalt  }
0x45: {  	_ =	shalt  }
0x46: {  	_ =	shalt  }
0x47: {  	_ =	shalt  }
0x48: {  	_ =	shalt  }
0x49: {  	_ =	shalt  }
0x4a: {  	_ =	shalt  }
0x4b: {  	_ =	shalt  }
0x4c: {  	_ =	shalt  }
0x4d: {  	_ =	shalt  }
0x4e: {  	_ =	shalt  }
0x4f: {  	_ =	shalt  }
0x50: {  	_ =	shalt  }
0x51: {  	_ =	shalt  }
0x52: {  	_ =	shalt  }
0x53: {  	_ =	shalt  }
0x54: {  	_ =	shalt  }
0x55: {  	_ =	shalt  }
0x56: {  	_ =	shalt  }
0x57: {  	_ =	shalt  }
0x58: {  	_ =	shalt  }
0x59: {  	_ =	shalt  }
0x5a: {  	_ =	shalt  }
0x5b: {  	_ =	shalt  }
0x5c: {  	_ =	shalt  }
0x5d: {  	_ =	shalt  }
0x5e: {  	_ =	shalt  }
0x5f: {  	_ =	shalt  }
0x60: {  	_ =	shalt  }
0x61: {  	_ =	shalt  }
0x62: {  	_ =	shalt  }
0x63: {  	_ =	shalt  }
0x64: {  	_ =	shalt  }
0x65: {  	_ =	shalt  }
0x66: {  	_ =	shalt  }
0x67: {  	_ =	shalt  }
0x68: {  	_ =	shalt  }
0x69: {  	_ =	shalt  }
0x6a: {  	_ =	shalt  }
0x6b: {  	_ =	shalt  }
0x6c: {  	_ =	shalt  }
0x6d: {  	_ =	shalt  }
0x6e: {  	_ =	shalt  }
0x6f: {  	_ =	shalt  }
0x70: {  	_ =	shalt  }
0x71: {  	_ =	shalt  }
0x72: {  	_ =	shalt  }
0x73: {  	_ =	shalt  }
0x74: {  	_ =	shalt  }
0x75: {  	_ =	shalt  }
0x76: {  	_ =	shalt  }
0x77: {  	_ =	shalt  }
0x78: {  	_ =	shalt  }
0x79: {  	_ =	shalt  }
0x7a: {  	_ =	shalt  }
0x7b: {  	_ =	shalt  }
0x7c: {  	_ =	shalt  }
0x7d: {  	_ =	shalt  }
0x7e: {  	_ =	shalt  }
0x7f: {  	_ =	shalt  }
0x80: {  	_ =	shalt  }
0x81: {  	_ =	shalt  }
0x82: {  	_ =	shalt  }
0x83: {  	_ =	shalt  }
0x84: {  	_ =	shalt  }
0x85: {  	_ =	shalt  }
0x86: {  	_ =	shalt  }
0x87: {  	_ =	shalt  }
.Lfunc_end0:
.L_simem_size_0:
called_computation.1_lowered:
.L_overlay_start_0:
0x88: {  	s2 =	sld [smem:$0x3FD9]  }
0x89: {  	s3 =	sld [smem:$0x3FFE];
	_ =	sdelay $0x1  }
0x8a: {  	s1 =	srdreg.scid  }
0x8b: {  	s0 =	sand.u32 $0x1, s1  }
0x8c: {  	s17 =	sshll.u32 s0, $0xA;
	s2 =	sadd.s32 s3, s2  }
0x8d: {  	s2 =	sadd.s32 s2, s17  }
0x8e: {  	[smem:$0x3FC4] =	sst s2  }
0x8f: {  	_ = 	snop  }
0x90: {  	s2 =	sld [smem:$0x3FD0];
	(tm) =	ssettm $0x1  }
0x91: {  	s18 =	sld [smem:$0x3FFB];
	_ =	sdelay $0x3  }
0x92: {  	_ =	strace s18  }
0x93: {  	s3 =	sld [smem:$0x3FFC];
	_ =	sdelay $0x3  }
0x94: {  	_ =	strace s3  }
0x95: {  	s3 =	sld [smem:$0x3FFD];
	_ =	sdelay $0x3  }
0x96: {  	_ =	strace s3  }
0x97: {  	_ =	strace $0x8FFFFFFF  }
0x98: {  	s19 =	sld [smem:$0x3FDB];
	_ =	sdelay $0x1  }
0x99: {  	s4 =	simm.s32 $_scs_section_size  }
0x9a: {  	s5 =	simm.s32 $_size__tile_overlayer_lowered;
	s6 =	simm.s32 $_tile_overlayer_lowered  }
0x9b: {  	s22 =	simm.s32 $0x1BFF;
	s21 =	sshll.u32 s6, $0x1;
	s3 =	sadd.s32 s4, s19  }
0x9c: {  	s7 =	simm.s32 $0x0;
	s20 =	sshll.u32 s5, $0x1;
	s5 =	sadd.s32 s21, s3  }
0x9d: {  	[timem:s7], [sflag:s22] =	dma.local [hbm:s5], s20  }
0x9e: {  	_ =	swait.ge [sflag:s22], s20  }
0x9f: {  	s4 =	ssub.s32 $0x0, s20;
	[sflag:s22] =	ssyncset.done $0x0  }
0xa0: {  	[sflag:s22] =	ssyncadd.s32 s4;
	_ =	sdelay $0x1  }
0xa1: {  	s23 =	simm.s32 $0x1B8B  }
0xa2: {  	_ =	swait.ge [sflag:s23], $0x1  }
0xa3: {  	[sflag:s23] =	ssyncset.done $0x0  }
0xa4: {  	s25 =	simm.s32 $0x1B8E;
	s24 =	sld [smem:$0x3FFE];
	[sflag:s23] =	ssyncadd.s32 $0xFFFFFFFF  }
0xa5: {  	s26 =	simm.s32 $execute0_lowered;
	[smem:$0x3FD2] =	sst s25  }
0xa6: {  	s5 =	sshll.u32 s26, $0x1;
	_ =	strace $0x80000049;
	[dreg:$0x1] =	wrdreg $0xFFFFFFFF  }
0xa7: {  	s28 =	simm.s32 $_size_execute0_lowered;
	s3 =	sadd.s32 s3, s5;
	[dreg:$0x0] =	wrdreg $0x0  }
0xa8: {  	s5 =	sshll.u32 s28, $0x1;
	[dreg:$0x2] =	wrdreg s3  }
0xa9: {  	[dreg:$0x3] =	wrdreg s5  }
0xaa: {  	[dreg:$0x4] =	wrdreg $0xC0  }
0xab: {  	_ =	task [dreg:s7], $0x5FFFF  }
0xac: {  	[dreg:$0x1] =	wrdreg $0xFFFFFFFF  }
0xad: {  	[dreg:$0x0] =	wrdreg $0x60  }
0xae: {  	[dreg:$0x2] =	wrdreg s24  }
0xaf: {  	[dreg:$0x3] =	wrdreg s2  }
0xb0: {  	[dreg:$0x4] =	wrdreg $0x13C400  }
0xb1: {  	[dreg:$0x5] =	wrdreg $0x9  }
0xb2: {  	_ =	task.clear_ibuf [dreg:s7], $0x6FFFF;
	_ =	strace $0x90000049  }
0xb3: {  	s29 =	simm.s32 $0x9;
	_ =	strace $0x8000004B  }
0xb4: {  	_ =	swait.ge [sflag:s29], $0x1  }
0xb5: {  	[sflag:s29] =	ssyncadd.s32 $0xFFFFFFFF  }
0xb6: {  	_ =	strace $0x9000004B  }
0xb7: {  	_ =	sfence  }
0xb8: {  	s30 =	sld [smem:$0x0];
	_ =	sdelay $0x2  }
0xb9: {  	s31 =	sshll.u32 s1, $0xD;
	s1 =	sshrl.u32 s1, $0x2  }
0xba: {  	s3 =	sand.u32 $0x4000, s31;
	s1 =	sadd.s32 s1, s30  }
0xbb: {  	s0 =	sor.u32 s3, s0;
	s1 =	sshll.u32 s1, $0x11  }
0xbc: {  	s0 =	sor.u32 s1, s0  }
0xbd: {  	s0 =	sadd.s32 $0x8F2B, s0  }
0xbe: {  	[sflag:s0] =	ssyncadd.remote.s32 $0x1  }
0xbf: {  	_ =	sfence.sel $0xFFFF  }
0xc0: {  	[dreg:$0x0] =	wrdreg $0xFFFFFFFF;
	(pc) =	sbr.abs _section_cstart, $3  }
0xc1: {  	[dreg:$0x1] =	wrdreg $0xFFFFFFFF  }
0xc2: {  	_ =	task.clear_ibuf [dreg:s7], $0x2FFFF;
	_ =	strace $0x9FFFFFFF  }
0xc3: {  	(tm) =	ssettm $0x7FFFFFFF  }
tec
execute0_lowered:
.L_overlay_start_1:
0x0: {  	(tag) =	ssettag $0x1  }
0x1: {  	s0 =	rddreg [dreg:$0x0]  }
0x2: {  	s1 =	rddreg [dreg:$0x1]  }
0x3: {  	s2 =	rddreg [dreg:$0x2]  }
0x4: {  	s9 =	stileid.u32;
	s4 =	srdreg.scid  }
0x5: {  	s3 =	simm.s32 $0x0;
	s28 =	simm.s32 $0xD840;
	s5 =	smul.u32 $0xA000, s9  }
0x6: {  	s29 =	simm.s32 $0xEC40;
	s30 =	simm.s32 $0x10040;
	s7 =	smul.u32 $0x9C4, s9  }
0x7: {  	s4 =	sand.u32 $0x1, s4;
	[smem:$0x7FF] =	sst s3;
	s9 =	smul.u32 $0x28000, s9  }
0x8: {  	s31 =	simm.s32 $0x11440;
	s6 =	smul.u32 $0xA0000, s4;
	_ =	strace $0x8000004A  }
0x9: {  	s8 =	ssub.s32 $0x2, s4;
	s4 =	smul.u32 $0x13880, s4;
	s7 =	sadd.s32 s7, s0  }
0xa: {  	s10 =	sshrl.u32 s8, $0x1;
	s16 =	sshrl.u32 s9, $0x2;
	s6 =	sadd.s32 s5, s6  }
0xb: {  	s8 =	ssub.s32 s8, s10;
	s17 =	sadd.s32 $0xA400, s7;
	s7 =	sadd.s32 $0x600, s7  }
0xc: {  	s18 =	sadd.s32 s16, s2;
	s14 =	sadd.s32 s1, s4;
	[dreg:$0x4] =	wrdreg s17  }
0xd: {  	s1 =	simm.s32 $0x7;
	[dreg:$0x5] =	wrdreg s7;
	s19 =	sadd.s32 $0x1400, s18  }
0xe: {  	s4 =	simm.s32 $0x8;
	s20 =	sadd.s32 $0x2800, s18;
	[dreg:$0x6] =	wrdreg s19  }
0xf: {  	s6 =	sshrl.u32 s6, $0x3;
	s21 =	sadd.s32 $0x3C00, s18;
	[dreg:$0x7] =	wrdreg s20  }
0x10: {  	s22 =	sadd.s32 $0x5000, s18;
	s23 =	sadd.s32 $0x6400, s18;
	[dreg:$0x8] =	wrdreg s21  }
0x11: {  	s24 =	sadd.s32 $0x7800, s18;
	s25 =	sadd.s32 $0x8C00, s18;
	[dreg:$0x9] =	wrdreg s22  }
0x12: {  	s26 =	smax.u32 s8, $0x1;
	s18 =	simm.s32 $0x9C40;
	[dreg:$0xa] =	wrdreg s23  }
0x13: {  	s17 =	simm.s32 $0x4;
	s7 =	simm.s32 $0x0;
	[dreg:$0xb] =	wrdreg s24  }
0x14: {  	s0 =	sadd.s32 s6, s0;
	s6 =	sadd.s32 s5, s2;
	[dreg:$0xc] =	wrdreg s25  }
0x15: {  	[dreg:$0xe] =	wrdreg s26;
	s19 =	simm.s32 $0x3;
	s20 =	simm.s32 $0x1  }
0x16: {  	s21 =	simm.s32 $0x2;
	s22 =	simm.s32 $0x50;
	s23 =	simm.s32 $0xB040  }
0x17: {  	s25 =	simm.s32 $0xC440;
	s24 =	simm.s32 $0x5;
	s0 =	sadd.s32 $0x14200, s0  }
0x18: {  	v0 =	vimm.f32 $0.0e+00;
	s26 =	simm.s32 $0x6;
	[dreg:$0xd] =	wrdreg s0;
	s0 =	simm.s32 $0x12840  }
.LBB2_1:
0x19: {  	s5 =	rddreg [dreg:$0x4]  }
0x1a: {  	s15 =	rddreg [dreg:$0x5];
	s16 =	sand.u32 $0x7F00, s3  }
0x1b: {  	[tilespmem:s3], [sflag:$0x1] =	stream.linear.gather [hbm4b:s5+s3], $0x4E20, $0x38;
	[tilespmem:$0x1DC40] =	vst v63  }
0x1c: {  	s8 =	simm.s32 $0x4E20;
	s9 =	sand.u32 $0x30, s3;
	s10 =	sshrl.u32 s16, $0x2  }
0x1d: {  	[tilespmem:s8], [sflag:$0x2] =	stream.linear.gather [hbm4b:s15+s3], $0x4E20, $0x38;
	[tilespmem:$0x1DC40] =	vst v63  }
0x1e: {  	s10 =	sor.u32 s9, s10;
	s9 =	simm.s32 $0x0;
	s8 =	simm.s32 $0x40  }
.LBB2_2:
0x1f: {  	p0 =	sne.s32 s8, $0x4FC0  }
0x20: {  	[tilespmem:s10+$0x9C40] =	vst v0;
	s9 =	sadd.s32 $0x10, s9;
	s10 =	smov.u32 s8;
	s8 =	sadd.s32 $0x40, s8  }
.Ltmp0:
0x21: {  	(pc) =	sbr.rel @p0 .LBB2_2-.Ltmp0, $4  }
0x22: {  	_ = 	snop  }
0x23: {  	s10 =	sand.u32 $0x7F00, s10  }
0x24: {  	s11 =	sand.u32 $0x30, s9;
	s10 =	sshrl.u32 s10, $0x2  }
0x25: {  	s10 =	sor.u32 s11, s10  }
0x26: {  	[tilespmem:s10+$0x9C40] =	vst v0  }
0x27: {  	[spmem:s6] =	stream.linear.scatter [tilespmem:s18], [sflag:$0x3], $0x1400, $0x38;
	[tilespmem:$0x1DC40] =	vst v63  }
0x28: {  	s5 =	rddreg [dreg:$0x6]  }
0x29: {  	[spmem:s5] =	stream.linear.scatter [tilespmem:s18], [sflag:$0x3], $0x1400, $0x38;
	[tilespmem:$0x1DC40] =	vst v63  }
0x2a: {  	s11 =	rddreg [dreg:$0x7]  }
0x2b: {  	[spmem:s11] =	stream.linear.scatter [tilespmem:s18], [sflag:$0x3], $0x1400, $0x38;
	[tilespmem:$0x1DC40] =	vst v63  }
0x2c: {  	s12 =	rddreg [dreg:$0x8]  }
0x2d: {  	[spmem:s12] =	stream.linear.scatter [tilespmem:s18], [sflag:$0x3], $0x1400, $0x38;
	[tilespmem:$0x1DC40] =	vst v63  }
0x2e: {  	s13 =	rddreg [dreg:$0x9]  }
0x2f: {  	[spmem:s13] =	stream.linear.scatter [tilespmem:s18], [sflag:$0x3], $0x1400, $0x38;
	[tilespmem:$0x1DC40] =	vst v63  }
0x30: {  	s15 =	rddreg [dreg:$0xa]  }
0x31: {  	[spmem:s15] =	stream.linear.scatter [tilespmem:s18], [sflag:$0x3], $0x1400, $0x38;
	[tilespmem:$0x1DC40] =	vst v63  }
0x32: {  	s16 =	rddreg [dreg:$0xb]  }
0x33: {  	[spmem:s16] =	stream.linear.scatter [tilespmem:s18], [sflag:$0x3], $0x1400, $0x38;
	[tilespmem:$0x1DC40] =	vst v63  }
0x34: {  	s8 =	rddreg [dreg:$0xc]  }
0x35: {  	[spmem:s8] =	stream.linear.scatter [tilespmem:s18], [sflag:$0x3], $0x1400, $0x38;
	[tilespmem:$0x1DC40] =	vst v63  }
0x36: {  	_ =	swait.ge [sflag:s19], $0x1400  }
0x37: {  	[sflag:s19] =	ssyncset.done $0x0  }
0x38: {  	[sflag:s19] =	ssyncadd.s32 $0xFFFFEC00  }
0x39: {  	_ =	swait.ge [sflag:s19], $0x1400  }
0x3a: {  	[sflag:s19] =	ssyncset.done $0x0  }
0x3b: {  	[sflag:s19] =	ssyncadd.s32 $0xFFFFEC00  }
0x3c: {  	_ =	swait.ge [sflag:s19], $0x1400  }
0x3d: {  	[sflag:s19] =	ssyncset.done $0x0  }
0x3e: {  	[sflag:s19] =	ssyncadd.s32 $0xFFFFEC00  }
0x3f: {  	_ =	swait.ge [sflag:s19], $0x1400  }
0x40: {  	[sflag:s19] =	ssyncset.done $0x0  }
0x41: {  	[sflag:s19] =	ssyncadd.s32 $0xFFFFEC00  }
0x42: {  	_ =	swait.ge [sflag:s19], $0x1400  }
0x43: {  	[sflag:s19] =	ssyncset.done $0x0  }
0x44: {  	[sflag:s19] =	ssyncadd.s32 $0xFFFFEC00  }
0x45: {  	_ =	swait.ge [sflag:s19], $0x1400  }
0x46: {  	[sflag:s19] =	ssyncset.done $0x0  }
0x47: {  	[sflag:s19] =	ssyncadd.s32 $0xFFFFEC00  }
0x48: {  	_ =	swait.ge [sflag:s19], $0x1400  }
0x49: {  	[sflag:s19] =	ssyncset.done $0x0  }
0x4a: {  	[sflag:s19] =	ssyncadd.s32 $0xFFFFEC00  }
0x4b: {  	_ =	swait.ge [sflag:s19], $0x1400  }
0x4c: {  	[sflag:s19] =	ssyncset.done $0x0  }
0x4d: {  	[sflag:s19] =	ssyncadd.s32 $0xFFFFEC00  }
0x4e: {  	_ =	swait.ge [sflag:s20], $0x4E20  }
0x4f: {  	[sflag:s20] =	ssyncset.done $0x0  }
0x50: {  	[sflag:s20] =	ssyncadd.s32 $0xFFFFB1E0  }
0x51: {  	_ =	swait.ge [sflag:s21], $0x4E20  }
0x52: {  	[sflag:s21] =	ssyncset.done $0x0  }
0x53: {  	s8 =	simm.s32 $0x0;
	[sflag:s21] =	ssyncadd.s32 $0xFFFFB1E0  }
0x54: {  	[tilespmem:s18], [sflag:$0x1] =	stream.indirect.gather [hbm4b:s14+s22], $0x40, s8, s22, $0xb8;
	[tilespmem:$0x1DC40] =	vst v63  }
0x55: {  	_ = 	snop  }
0x56: {  	[tilespmem:s23], [sflag:$0x2] =	stream.indirect.gather [hbm4b:s14+s22], $0x40, s22, s22, $0xb8;
	[tilespmem:$0x1DC40] =	vst v63  }
0x57: {  	s9 =	simm.s32 $0xA0;
	p0 =	por $0x1, $0x1  }
0x58: {  	[tilespmem:s25], [sflag:$0x3] =	stream.indirect.gather [hbm4b:s14+s22], $0x40, s9, s22, $0xb8;
	[tilespmem:$0x1DC40] =	vst v63  }
0x59: {  	s10 =	simm.s32 $0xF0;
	p0 =	por p0, p0  }
0x5a: {  	[tilespmem:s28], [sflag:$0x4] =	stream.indirect.gather [hbm4b:s14+s22], $0x40, s10, s22, $0xb8;
	[tilespmem:$0x1DC40] =	vst v63  }
0x5b: {  	s8 =	simm.s32 @!p0 $0x5;
	[bflag:$0x0] =	sbarrier.arrive $0xFFFF  }
0x5c: {  	_ =	swait.ge @!p0 [sflag:s8], $0x1400  }
0x5d: {  	[sflag:s8] =	ssyncset.done @!p0 $0x0  }
0x5e: {  	[sflag:s8] =	ssyncadd.s32 @!p0 $0xFFFFEC00;
	s8 =	simm.s32 @!p0 $0x6  }
0x5f: {  	_ =	swait.ge @!p0 [sflag:s8], $0x1400  }
0x60: {  	[sflag:s8] =	ssyncset.done @!p0 $0x0  }
0x61: {  	[sflag:s8] =	ssyncadd.s32 @!p0 $0xFFFFEC00;
	s8 =	simm.s32 @!p0 $0x7  }
0x62: {  	_ =	swait.ge @!p0 [sflag:s8], $0x1400  }
0x63: {  	[sflag:s8] =	ssyncset.done @!p0 $0x0  }
0x64: {  	[sflag:s8] =	ssyncadd.s32 @!p0 $0xFFFFEC00;
	s8 =	simm.s32 @!p0 $0x8  }
0x65: {  	_ =	swait.ge @!p0 [sflag:s8], $0x1400  }
0x66: {  	[sflag:s8] =	ssyncset.done @!p0 $0x0  }
0x67: {  	s11 =	simm.s32 $0x140;
	[sflag:s8] =	ssyncadd.s32 @!p0 $0xFFFFEC00  }
0x68: {  	[tilespmem:s29], [sflag:$0x5] =	stream.indirect.gather [hbm4b:s14+s22], $0x40, s11, s22, $0xb8;
	[tilespmem:$0x1DC40] =	vst v63  }
0x69: {  	s12 =	simm.s32 $0x190  }
0x6a: {  	[tilespmem:s30], [sflag:$0x6] =	stream.indirect.gather [hbm4b:s14+s22], $0x40, s12, s22, $0xb8;
	[tilespmem:$0x1DC40] =	vst v63  }
0x6b: {  	s13 =	simm.s32 $0x1E0  }
0x6c: {  	[tilespmem:s31], [sflag:$0x7] =	stream.indirect.gather [hbm4b:s14+s22], $0x40, s13, s22, $0xb8;
	[tilespmem:$0x1DC40] =	vst v63  }
0x6d: {  	s15 =	simm.s32 $0x230  }
0x6e: {  	[tilespmem:s0], [sflag:$0x8] =	stream.indirect.gather [hbm4b:s14+s22], $0x40, s15, s22, $0xb8;
	[tilespmem:$0x1DC40] =	vst v63  }
0x6f: {  	_ =	swait.ge [sflag:s20], $0x1400  }
0x70: {  	[sflag:s20] =	ssyncset.done $0x0  }
0x71: {  	s16 =	simm.s32 $0x4E20;
	[sflag:s20] =	ssyncadd.s32 $0xFFFFEC00  }
0x72: {  	[spmem:s2] =	stream.indirect.scatter.add.f32 [tilespmem:s18], [sflag:$0x1], $0x40, s16, s22, $0xb8;
	[tilespmem:$0x1DC40] =	vst v63  }
0x73: {  	_ =	swait.ge [sflag:s21], $0x1400  }
0x74: {  	[sflag:s21] =	ssyncset.done $0x0  }
0x75: {  	s5 =	simm.s32 $0x4E70;
	[sflag:s21] =	ssyncadd.s32 $0xFFFFEC00  }
0x76: {  	[spmem:s2] =	stream.indirect.scatter.add.f32 [tilespmem:s23], [sflag:$0x2], $0x40, s5, s22, $0xb8;
	[tilespmem:$0x1DC40] =	vst v63  }
0x77: {  	_ =	swait.ge [sflag:s19], $0x1400  }
0x78: {  	[sflag:s19] =	ssyncset.done $0x0  }
0x79: {  	s9 =	simm.s32 $0x4EC0;
	[sflag:s19] =	ssyncadd.s32 $0xFFFFEC00  }
0x7a: {  	[spmem:s2] =	stream.indirect.scatter.add.f32 [tilespmem:s25], [sflag:$0x3], $0x40, s9, s22, $0xb8;
	[tilespmem:$0x1DC40] =	vst v63  }
0x7b: {  	_ =	swait.ge [sflag:s17], $0x1400  }
0x7c: {  	[sflag:s17] =	ssyncset.done $0x0  }
0x7d: {  	s10 =	simm.s32 $0x4F10;
	[sflag:s17] =	ssyncadd.s32 $0xFFFFEC00  }
0x7e: {  	[spmem:s2] =	stream.indirect.scatter.add.f32 [tilespmem:s28], [sflag:$0x4], $0x40, s10, s22, $0xb8;
	[tilespmem:$0x1DC40] =	vst v63  }
0x7f: {  	_ =	swait.ge [sflag:s20], $0x1400  }
0x80: {  	[sflag:s20] =	ssyncset.done $0x0  }
0x81: {  	[sflag:s20] =	ssyncadd.s32 $0xFFFFEC00  }
0x82: {  	_ =	swait.ge [sflag:s21], $0x1400  }
0x83: {  	[sflag:s21] =	ssyncset.done $0x0  }
0x84: {  	[sflag:s21] =	ssyncadd.s32 $0xFFFFEC00  }
0x85: {  	_ =	swait.ge [sflag:s19], $0x1400  }
0x86: {  	[sflag:s19] =	ssyncset.done $0x0  }
0x87: {  	[sflag:s19] =	ssyncadd.s32 $0xFFFFEC00  }
0x88: {  	_ =	swait.ge [sflag:s17], $0x1400  }
0x89: {  	[sflag:s17] =	ssyncset.done $0x0  }
0x8a: {  	s11 =	simm.s32 $0x280;
	[sflag:s17] =	ssyncadd.s32 $0xFFFFEC00  }
0x8b: {  	[tilespmem:s18], [sflag:$0x1] =	stream.indirect.gather [hbm4b:s14+s22], $0x40, s11, s22, $0xb8;
	[tilespmem:$0x1DC40] =	vst v63  }
0x8c: {  	p0 =	por $0x0, $0x0;
	s12 =	simm.s32 $0x2D0  }
0x8d: {  	[tilespmem:s23], [sflag:$0x2] =	stream.indirect.gather [hbm4b:s14+s22], $0x40, s12, s22, $0xb8;
	[tilespmem:$0x1DC40] =	vst v63  }
0x8e: {  	s8 =	simm.s32 @!p0 $0x50;
	s9 =	simm.s32 @!p0 $0xC440;
	s10 =	simm.s32 @!p0 $0x320  }
0x8f: {  	[tilespmem:s9], [sflag:$0x3] =	stream.indirect.gather @!p0 [hbm4b:s14+s8], $0x40, s10, s8, $0xb8;
	[tilespmem:$0x1DC40] =	vst v63  }
0x90: {  	s9 =	simm.s32 @!p0 $0x370;
	s10 =	simm.s32 @!p0 $0xD840  }
0x91: {  	[tilespmem:s10], [sflag:$0x4] =	stream.indirect.gather @!p0 [hbm4b:s14+s8], $0x40, s9, s8, $0xb8;
	[tilespmem:$0x1DC40] =	vst v63  }
0x92: {  	_ =	swait.ge [sflag:s24], $0x1400  }
0x93: {  	[sflag:s24] =	ssyncset.done $0x0  }
0x94: {  	s13 =	simm.s32 $0x4F60;
	[sflag:s24] =	ssyncadd.s32 $0xFFFFEC00  }
0x95: {  	[spmem:s2] =	stream.indirect.scatter.add.f32 [tilespmem:s29], [sflag:$0x5], $0x40, s13, s22, $0xb8;
	[tilespmem:$0x1DC40] =	vst v63  }
0x96: {  	_ =	swait.ge [sflag:s26], $0x1400  }
0x97: {  	[sflag:s26] =	ssyncset.done $0x0  }
0x98: {  	s15 =	simm.s32 $0x4FB0;
	[sflag:s26] =	ssyncadd.s32 $0xFFFFEC00  }
0x99: {  	[spmem:s2] =	stream.indirect.scatter.add.f32 [tilespmem:s30], [sflag:$0x6], $0x40, s15, s22, $0xb8;
	[tilespmem:$0x1DC40] =	vst v63  }
0x9a: {  	_ =	swait.ge [sflag:s1], $0x1400  }
0x9b: {  	[sflag:s1] =	ssyncset.done $0x0  }
0x9c: {  	p6 =	por $0x0, $0x0;
	s16 =	simm.s32 $0x5000;
	[sflag:s1] =	ssyncadd.s32 $0xFFFFEC00  }
0x9d: {  	[spmem:s2] =	stream.indirect.scatter.add.f32 [tilespmem:s31], [sflag:$0x7], $0x40, s16, s22, $0xb8;
	[tilespmem:$0x1DC40] =	vst v63  }
0x9e: {  	s8 =	simm.s32 $0xA00;
	s9 =	simm.s32 $0x1400;
	_ =	swait.ge [sflag:s4], $0x1400  }
0x9f: {  	p0 =	por p6, p6;
	s10 =	simm.s32 $0x5050;
	[sflag:s4] =	ssyncset.done $0x0  }
.LBB2_4:
0xa0: {  	p2 =	seq.s32 s9, $0x0;
	s12 =	simm.s32 @!p0 $0x5;
	[sflag:s4] =	ssyncadd.s32 $0xFFFFEC00  }
0xa1: {  	[spmem:s2] =	stream.indirect.scatter.add.f32 [tilespmem:s0], [sflag:$0x8], $0x40, s10, s22, $0xb8;
	[tilespmem:$0x1DC40] =	vst v63  }
0xa2: {  	s11 =	smov.u32 s9;
	s9 =	sadd.s32 $0xA00, s9;
	_ =	swait.ge @!p0 [sflag:s12], $0x1400  }
0xa3: {  	p1 =	sne.s32 s9, $0x13600;
	[sflag:s12] =	ssyncset.done @!p0 $0x0  }
0xa4: {  	s10 =	simm.s32 @!p0 $0x6;
	[sflag:s12] =	ssyncadd.s32 @!p0 $0xFFFFEC00  }
0xa5: {  	_ =	swait.ge @!p0 [sflag:s10], $0x1400  }
0xa6: {  	[sflag:s10] =	ssyncset.done @!p0 $0x0  }
0xa7: {  	[sflag:s10] =	ssyncadd.s32 @!p0 $0xFFFFEC00;
	s10 =	simm.s32 @!p0 $0x7  }
0xa8: {  	_ =	swait.ge @!p0 [sflag:s10], $0x1400  }
0xa9: {  	[sflag:s10] =	ssyncset.done @!p0 $0x0  }
0xaa: {  	s12 =	simm.s32 @!p0 $0x8;
	[sflag:s10] =	ssyncadd.s32 @!p0 $0xFFFFEC00  }
0xab: {  	_ =	swait.ge @!p0 [sflag:s12], $0x1400  }
0xac: {  	s10 =	sshra.s32 s8, $0x2;
	[sflag:s12] =	ssyncset.done @!p0 $0x0  }
0xad: {  	[sflag:s12] =	ssyncadd.s32 @!p0 $0xFFFFEC00;
	s12 =	sadd.s32 $0x140, s10;
	p0 =	por p2, p2  }
0xae: {  	[tilespmem:s29], [sflag:$0x5] =	stream.indirect.gather [hbm4b:s14+s22], $0x40, s12, s22, $0xb8;
	[tilespmem:$0x1DC40] =	vst v63  }
0xaf: {  	s12 =	sadd.s32 $0x190, s10  }
0xb0: {  	[tilespmem:s30], [sflag:$0x6] =	stream.indirect.gather [hbm4b:s14+s22], $0x40, s12, s22, $0xb8;
	[tilespmem:$0x1DC40] =	vst v63  }
0xb1: {  	s12 =	sadd.s32 $0x1E0, s10  }
0xb2: {  	[tilespmem:s31], [sflag:$0x7] =	stream.indirect.gather [hbm4b:s14+s22], $0x40, s12, s22, $0xb8;
	[tilespmem:$0x1DC40] =	vst v63  }
0xb3: {  	s12 =	sadd.s32 $0x230, s10  }
0xb4: {  	[tilespmem:s0], [sflag:$0x8] =	stream.indirect.gather [hbm4b:s14+s22], $0x40, s12, s22, $0xb8;
	[tilespmem:$0x1DC40] =	vst v63  }
0xb5: {  	_ =	swait.ge [sflag:s20], $0x1400  }
0xb6: {  	[sflag:s20] =	ssyncset.done $0x0  }
0xb7: {  	s12 =	sadd.s32 $0x4E20, s10;
	[sflag:s20] =	ssyncadd.s32 $0xFFFFEC00  }
0xb8: {  	[spmem:s2] =	stream.indirect.scatter.add.f32 [tilespmem:s18], [sflag:$0x1], $0x40, s12, s22, $0xb8;
	[tilespmem:$0x1DC40] =	vst v63  }
0xb9: {  	_ =	swait.ge [sflag:s21], $0x1400  }
0xba: {  	[sflag:s21] =	ssyncset.done $0x0  }
0xbb: {  	s12 =	sadd.s32 $0x4E70, s10;
	[sflag:s21] =	ssyncadd.s32 $0xFFFFEC00  }
0xbc: {  	[spmem:s2] =	stream.indirect.scatter.add.f32 [tilespmem:s23], [sflag:$0x2], $0x40, s12, s22, $0xb8;
	[tilespmem:$0x1DC40] =	vst v63  }
0xbd: {  	_ =	swait.ge [sflag:s19], $0x1400  }
0xbe: {  	[sflag:s19] =	ssyncset.done $0x0  }
0xbf: {  	s12 =	sadd.s32 $0x4EC0, s10;
	[sflag:s19] =	ssyncadd.s32 $0xFFFFEC00  }
0xc0: {  	[spmem:s2] =	stream.indirect.scatter.add.f32 [tilespmem:s25], [sflag:$0x3], $0x40, s12, s22, $0xb8;
	[tilespmem:$0x1DC40] =	vst v63  }
0xc1: {  	_ =	swait.ge [sflag:s17], $0x1400  }
0xc2: {  	[sflag:s17] =	ssyncset.done $0x0  }
0xc3: {  	s12 =	sadd.s32 $0x4F10, s10;
	[sflag:s17] =	ssyncadd.s32 $0xFFFFEC00  }
0xc4: {  	[spmem:s2] =	stream.indirect.scatter.add.f32 [tilespmem:s28], [sflag:$0x4], $0x40, s12, s22, $0xb8;
	[tilespmem:$0x1DC40] =	vst v63  }
0xc5: {  	_ =	swait.ge [sflag:s20], $0x1400  }
0xc6: {  	[sflag:s20] =	ssyncset.done $0x0  }
0xc7: {  	[sflag:s20] =	ssyncadd.s32 $0xFFFFEC00  }
0xc8: {  	_ =	swait.ge [sflag:s21], $0x1400  }
0xc9: {  	[sflag:s21] =	ssyncset.done $0x0  }
0xca: {  	[sflag:s21] =	ssyncadd.s32 $0xFFFFEC00  }
0xcb: {  	_ =	swait.ge [sflag:s19], $0x1400  }
0xcc: {  	[sflag:s19] =	ssyncset.done $0x0  }
0xcd: {  	[sflag:s19] =	ssyncadd.s32 $0xFFFFEC00  }
0xce: {  	_ =	swait.ge [sflag:s17], $0x1400  }
0xcf: {  	[sflag:s17] =	ssyncset.done $0x0  }
0xd0: {  	s12 =	sadd.s32 $0x280, s10;
	[sflag:s17] =	ssyncadd.s32 $0xFFFFEC00  }
0xd1: {  	[tilespmem:s18], [sflag:$0x1] =	stream.indirect.gather [hbm4b:s14+s22], $0x40, s12, s22, $0xb8;
	[tilespmem:$0x1DC40] =	vst v63  }
0xd2: {  	p2 =	seq.s32 s8, $0x12C00;
	s12 =	sadd.s32 $0x2D0, s10  }
0xd3: {  	[tilespmem:s23], [sflag:$0x2] =	stream.indirect.gather [hbm4b:s14+s22], $0x40, s12, s22, $0xb8;
	[tilespmem:$0x1DC40] =	vst v63  }
0xd4: {  	s8 =	sshra.s32 @!p2 s8, $0x2;
	s13 =	simm.s32 @!p2 $0xC440;
	s12 =	simm.s32 @!p2 $0x50  }
0xd5: {  	s5 =	simm.s32 @!p2 $0xD840;
	s15 =	sadd.s32 @!p2 $0x320, s8;
	s16 =	sadd.s32 @!p2 $0x370, s8  }
0xd6: {  	[tilespmem:s13], [sflag:$0x3] =	stream.indirect.gather @!p2 [hbm4b:s14+s12], $0x40, s15, s12, $0xb8;
	[tilespmem:$0x1DC40] =	vst v63  }
0xd7: {  	s8 =	smov.u32 s11  }
0xd8: {  	[tilespmem:s5], [sflag:$0x4] =	stream.indirect.gather @!p2 [hbm4b:s14+s12], $0x40, s16, s12, $0xb8;
	[tilespmem:$0x1DC40] =	vst v63  }
0xd9: {  	_ =	swait.ge [sflag:s24], $0x1400  }
0xda: {  	s5 =	sadd.s32 $0x4F60, s10;
	[sflag:s24] =	ssyncset.done $0x0  }
0xdb: {  	[sflag:s24] =	ssyncadd.s32 $0xFFFFEC00  }
0xdc: {  	[spmem:s2] =	stream.indirect.scatter.add.f32 [tilespmem:s29], [sflag:$0x5], $0x40, s5, s22, $0xb8;
	[tilespmem:$0x1DC40] =	vst v63  }
0xdd: {  	_ =	swait.ge [sflag:s26], $0x1400  }
0xde: {  	s5 =	sadd.s32 $0x4FB0, s10;
	[sflag:s26] =	ssyncset.done $0x0  }
0xdf: {  	[sflag:s26] =	ssyncadd.s32 $0xFFFFEC00  }
0xe0: {  	[spmem:s2] =	stream.indirect.scatter.add.f32 [tilespmem:s30], [sflag:$0x6], $0x40, s5, s22, $0xb8;
	[tilespmem:$0x1DC40] =	vst v63  }
0xe1: {  	_ =	swait.ge [sflag:s1], $0x1400  }
.Ltmp1:
0xe2: {  	s5 =	sadd.s32 $0x5000, s10;
	[sflag:s1] =	ssyncset.done $0x0;
	(pc) =	sbr.rel @p1 .LBB2_4-.Ltmp1, $4  }
0xe3: {  	[sflag:s1] =	ssyncadd.s32 $0xFFFFEC00  }
0xe4: {  	[spmem:s2] =	stream.indirect.scatter.add.f32 [tilespmem:s31], [sflag:$0x7], $0x40, s5, s22, $0xb8;
	[tilespmem:$0x1DC40] =	vst v63  }
0xe5: {  	_ =	swait.ge [sflag:s4], $0x1400  }
0xe6: {  	s10 =	sadd.s32 $0x5050, s10;
	[sflag:s4] =	ssyncset.done $0x0  }
0xe7: {  	s5 =	simm.s32 @!p0 $0x5;
	[sflag:s4] =	ssyncadd.s32 $0xFFFFEC00  }
0xe8: {  	[spmem:s2] =	stream.indirect.scatter.add.f32 [tilespmem:s0], [sflag:$0x8], $0x40, s10, s22, $0xb8;
	[tilespmem:$0x1DC40] =	vst v63  }
0xe9: {  	_ =	swait.ge @!p0 [sflag:s5], $0x1400  }
0xea: {  	[sflag:s5] =	ssyncset.done @!p0 $0x0  }
0xeb: {  	[sflag:s5] =	ssyncadd.s32 @!p0 $0xFFFFEC00;
	s5 =	simm.s32 @!p0 $0x6  }
0xec: {  	_ =	swait.ge @!p0 [sflag:s5], $0x1400  }
0xed: {  	[sflag:s5] =	ssyncset.done @!p0 $0x0  }
0xee: {  	[sflag:s5] =	ssyncadd.s32 @!p0 $0xFFFFEC00;
	s5 =	simm.s32 @!p0 $0x7  }
0xef: {  	_ =	swait.ge @!p0 [sflag:s5], $0x1400  }
0xf0: {  	[sflag:s5] =	ssyncset.done @!p0 $0x0  }
0xf1: {  	[sflag:s5] =	ssyncadd.s32 @!p0 $0xFFFFEC00;
	s5 =	simm.s32 @!p0 $0x8  }
0xf2: {  	_ =	swait.ge @!p0 [sflag:s5], $0x1400  }
0xf3: {  	s9 =	sshra.s32 s8, $0x2;
	[sflag:s5] =	ssyncset.done @!p0 $0x0  }
0xf4: {  	s16 =	sadd.s32 $0x140, s9;
	[sflag:s5] =	ssyncadd.s32 @!p0 $0xFFFFEC00  }
0xf5: {  	[tilespmem:s29], [sflag:$0x5] =	stream.indirect.gather [hbm4b:s14+s22], $0x40, s16, s22, $0xb8;
	[tilespmem:$0x1DC40] =	vst v63  }
0xf6: {  	s10 =	sadd.s32 $0x190, s9  }
0xf7: {  	[tilespmem:s30], [sflag:$0x6] =	stream.indirect.gather [hbm4b:s14+s22], $0x40, s10, s22, $0xb8;
	[tilespmem:$0x1DC40] =	vst v63  }
0xf8: {  	s11 =	sadd.s32 $0x1E0, s9  }
0xf9: {  	[tilespmem:s31], [sflag:$0x7] =	stream.indirect.gather [hbm4b:s14+s22], $0x40, s11, s22, $0xb8;
	[tilespmem:$0x1DC40] =	vst v63  }
0xfa: {  	s12 =	sadd.s32 $0x230, s9  }
0xfb: {  	[tilespmem:s0], [sflag:$0x8] =	stream.indirect.gather [hbm4b:s14+s22], $0x40, s12, s22, $0xb8;
	[tilespmem:$0x1DC40] =	vst v63  }
0xfc: {  	_ =	swait.ge [sflag:s20], $0x1400  }
0xfd: {  	[sflag:s20] =	ssyncset.done $0x0  }
0xfe: {  	s13 =	sadd.s32 $0x4E20, s9;
	[sflag:s20] =	ssyncadd.s32 $0xFFFFEC00  }
0xff: {  	[spmem:s2] =	stream.indirect.scatter.add.f32 [tilespmem:s18], [sflag:$0x1], $0x40, s13, s22, $0xb8;
	[tilespmem:$0x1DC40] =	vst v63  }
0x100: {  	_ =	swait.ge [sflag:s21], $0x1400  }
0x101: {  	[sflag:s21] =	ssyncset.done $0x0  }
0x102: {  	s15 =	sadd.s32 $0x4E70, s9;
	[sflag:s21] =	ssyncadd.s32 $0xFFFFEC00  }
0x103: {  	[spmem:s2] =	stream.indirect.scatter.add.f32 [tilespmem:s23], [sflag:$0x2], $0x40, s15, s22, $0xb8;
	[tilespmem:$0x1DC40] =	vst v63  }
0x104: {  	_ =	swait.ge [sflag:s19], $0x1400  }
0x105: {  	[sflag:s19] =	ssyncset.done $0x0  }
0x106: {  	s16 =	sadd.s32 $0x4EC0, s9;
	[sflag:s19] =	ssyncadd.s32 $0xFFFFEC00  }
0x107: {  	[spmem:s2] =	stream.indirect.scatter.add.f32 [tilespmem:s25], [sflag:$0x3], $0x40, s16, s22, $0xb8;
	[tilespmem:$0x1DC40] =	vst v63  }
0x108: {  	_ =	swait.ge [sflag:s17], $0x1400  }
0x109: {  	[sflag:s17] =	ssyncset.done $0x0  }
0x10a: {  	s10 =	sadd.s32 $0x4F10, s9;
	[sflag:s17] =	ssyncadd.s32 $0xFFFFEC00  }
0x10b: {  	[spmem:s2] =	stream.indirect.scatter.add.f32 [tilespmem:s28], [sflag:$0x4], $0x40, s10, s22, $0xb8;
	[tilespmem:$0x1DC40] =	vst v63  }
0x10c: {  	_ =	swait.ge [sflag:s20], $0x1400  }
0x10d: {  	[sflag:s20] =	ssyncset.done $0x0  }
0x10e: {  	[sflag:s20] =	ssyncadd.s32 $0xFFFFEC00  }
0x10f: {  	_ =	swait.ge [sflag:s21], $0x1400  }
0x110: {  	[sflag:s21] =	ssyncset.done $0x0  }
0x111: {  	[sflag:s21] =	ssyncadd.s32 $0xFFFFEC00  }
0x112: {  	_ =	swait.ge [sflag:s19], $0x1400  }
0x113: {  	[sflag:s19] =	ssyncset.done $0x0  }
0x114: {  	[sflag:s19] =	ssyncadd.s32 $0xFFFFEC00  }
0x115: {  	_ =	swait.ge [sflag:s17], $0x1400  }
0x116: {  	[sflag:s17] =	ssyncset.done $0x0  }
0x117: {  	p0 =	seq.s32 s8, $0x12C00;
	s11 =	sadd.s32 $0x280, s9;
	[sflag:s17] =	ssyncadd.s32 $0xFFFFEC00  }
0x118: {  	[tilespmem:s18], [sflag:$0x1] =	stream.indirect.gather [hbm4b:s14+s22], $0x40, s11, s22, $0xb8;
	[tilespmem:$0x1DC40] =	vst v63  }
0x119: {  	s5 =	sshra.s32 @!p0 s8, $0x2;
	s12 =	sadd.s32 $0x2D0, s9  }
0x11a: {  	[tilespmem:s23], [sflag:$0x2] =	stream.indirect.gather [hbm4b:s14+s22], $0x40, s12, s22, $0xb8;
	[tilespmem:$0x1DC40] =	vst v63  }
0x11b: {  	s8 =	simm.s32 @!p0 $0x50;
	s10 =	simm.s32 @!p0 $0xC440;
	s11 =	sadd.s32 @!p0 $0x320, s5  }
0x11c: {  	[tilespmem:s10], [sflag:$0x3] =	stream.indirect.gather @!p0 [hbm4b:s14+s8], $0x40, s11, s8, $0xb8;
	[tilespmem:$0x1DC40] =	vst v63  }
0x11d: {  	s5 =	sadd.s32 @!p0 $0x370, s5;
	s10 =	simm.s32 @!p0 $0xD840  }
0x11e: {  	[tilespmem:s10], [sflag:$0x4] =	stream.indirect.gather @!p0 [hbm4b:s14+s8], $0x40, s5, s8, $0xb8;
	[tilespmem:$0x1DC40] =	vst v63  }
0x11f: {  	_ =	swait.ge [sflag:s24], $0x1400  }
0x120: {  	[sflag:s24] =	ssyncset.done $0x0  }
0x121: {  	s13 =	sadd.s32 $0x4F60, s9;
	[sflag:s24] =	ssyncadd.s32 $0xFFFFEC00  }
0x122: {  	[spmem:s2] =	stream.indirect.scatter.add.f32 [tilespmem:s29], [sflag:$0x5], $0x40, s13, s22, $0xb8;
	[tilespmem:$0x1DC40] =	vst v63  }
0x123: {  	_ =	swait.ge [sflag:s26], $0x1400  }
0x124: {  	[sflag:s26] =	ssyncset.done $0x0  }
0x125: {  	s15 =	sadd.s32 $0x4FB0, s9;
	[sflag:s26] =	ssyncadd.s32 $0xFFFFEC00  }
0x126: {  	[spmem:s2] =	stream.indirect.scatter.add.f32 [tilespmem:s30], [sflag:$0x6], $0x40, s15, s22, $0xb8;
	[tilespmem:$0x1DC40] =	vst v63  }
0x127: {  	_ =	swait.ge [sflag:s1], $0x1400  }
0x128: {  	[sflag:s1] =	ssyncset.done $0x0  }
0x129: {  	s16 =	sadd.s32 $0x5000, s9;
	[sflag:s1] =	ssyncadd.s32 $0xFFFFEC00  }
0x12a: {  	[spmem:s2] =	stream.indirect.scatter.add.f32 [tilespmem:s31], [sflag:$0x7], $0x40, s16, s22, $0xb8;
	[tilespmem:$0x1DC40] =	vst v63  }
0x12b: {  	_ =	swait.ge [sflag:s4], $0x1400  }
0x12c: {  	[sflag:s4] =	ssyncset.done $0x0  }
0x12d: {  	s8 =	sadd.s32 $0x5050, s9;
	[sflag:s4] =	ssyncadd.s32 $0xFFFFEC00  }
0x12e: {  	[spmem:s2] =	stream.indirect.scatter.add.f32 [tilespmem:s0], [sflag:$0x8], $0x40, s8, s22, $0xb8;
	[tilespmem:$0x1DC40] =	vst v63  }
0x12f: {  	_ =	swait.ge [sflag:s20], $0x1400  }
0x130: {  	[sflag:s20] =	ssyncset.done $0x0  }
0x131: {  	s9 =	simm.s32 $0x9BA0;
	[sflag:s20] =	ssyncadd.s32 $0xFFFFEC00  }
0x132: {  	[spmem:s2] =	stream.indirect.scatter.add.f32 [tilespmem:s18], [sflag:$0x1], $0x40, s9, s22, $0xb8;
	[tilespmem:$0x1DC40] =	vst v63  }
0x133: {  	_ =	swait.ge [sflag:s21], $0x1400  }
0x134: {  	[sflag:s21] =	ssyncset.done $0x0  }
0x135: {  	s10 =	simm.s32 $0x9BF0;
	[sflag:s21] =	ssyncadd.s32 $0xFFFFEC00  }
0x136: {  	[spmem:s2] =	stream.indirect.scatter.add.f32 [tilespmem:s23], [sflag:$0x2], $0x40, s10, s22, $0xb8;
	[tilespmem:$0x1DC40] =	vst v63  }
0x137: {  	_ =	swait.ge [sflag:s24], $0x1400  }
0x138: {  	[sflag:s24] =	ssyncset.done $0x0  }
0x139: {  	[sflag:s24] =	ssyncadd.s32 $0xFFFFEC00  }
0x13a: {  	_ =	swait.ge [sflag:s26], $0x1400  }
0x13b: {  	[sflag:s26] =	ssyncset.done $0x0  }
0x13c: {  	[sflag:s26] =	ssyncadd.s32 $0xFFFFEC00  }
0x13d: {  	_ =	swait.ge [sflag:s1], $0x1400  }
0x13e: {  	[sflag:s1] =	ssyncset.done $0x0  }
0x13f: {  	[sflag:s1] =	ssyncadd.s32 $0xFFFFEC00  }
0x140: {  	_ =	swait.ge [sflag:s4], $0x1400  }
0x141: {  	[sflag:s4] =	ssyncset.done $0x0  }
0x142: {  	[sflag:s4] =	ssyncadd.s32 $0xFFFFEC00  }
0x143: {  	_ =	swait.ge [sflag:s20], $0x1400  }
0x144: {  	[sflag:s20] =	ssyncset.done $0x0  }
0x145: {  	[sflag:s20] =	ssyncadd.s32 $0xFFFFEC00  }
0x146: {  	_ =	swait.ge [sflag:s21], $0x1400  }
0x147: {  	[sflag:s21] =	ssyncset.done $0x0  }
0x148: {  	s11 =	stileid.u32;
	[sflag:s21] =	ssyncadd.s32 $0xFFFFEC00  }
0x149: {  	s12 =	sshrl.u32 s6, $0x3;
	s5 =	sshll.u32 s11, $0x6;
	[bflag:$0x0] =	sbarrier.arrive $0xFFFF  }
0x14a: {  	s5 =	sor.u32 $0x1C09, s5;
	s15 =	simm.s32 $0x9;
	s13 =	rddreg [dreg:$0xd]  }
0x14b: {  	[hbm:s13], [sflag:s5] =	dma.local [spmem:s12], $0x1400  }
0x14c: {  	_ =	swait.ge [sflag:s15], $0x1400  }
0x14d: {  	s7 =	sadd.s32 $0x1, s7;
	s16 =	rddreg [dreg:$0xe]  }
0x14e: {  	p0 =	sne.s32 s7, s16  }
.Ltmp2:
0x14f: {  	_ = 	snop;
	(pc) =	sbr.rel @p0 .LBB2_1-.Ltmp2, $3  }
0x150: {  	_ =	sdelay $0x1  }
0x151: {  	[sflag:s15] =	ssyncset.done $0x0  }
0x152: {  	[sflag:s15] =	ssyncadd.s32 $0xFFFFEC00  }
0x153: {  	_ =	sfence.sel $0x180000  }
0x154: {  	[bflag:$0x0] =	sbarrier.arrive $0xFFFF  }
0x155: {  	_ =	strace $0x9000004A  }
0x156: {  	s0 =	stileid.u32;
	[bflag:$0x2] =	sbarrier.arrive $0xFFFF  }
0x157: {  	p0 =	sne.s32 s0, $0x0;
	s0 =	rddreg [dreg:$0x3]  }
0x158: {  	s0 =	sadd.s32 @!p0 $0x100000, s0  }
0x159: {  	[sflag:s0] =	ssyncadd.tile.s32 @!p0 $0x1;
	_ =	shalt  }
.Lfunc_end2:
_tile_overlayer_lowered:
.L_overlay_start_2:
0x15a: {  	(tag) =	ssettag $0x2  }
0x15b: {  	s0 =	rddreg [dreg:$0x0];
	s2 =	stileid.u32  }
0x15c: {  	s1 =	rddreg [dreg:$0x1];
	p0 =	sne.s32 s2, $0x0  }
0x15d: {  	s3 =	rddreg [dreg:$0x2];
	[bflag:$0x3] =	sbarrier.arrive $0xFFFF;
	s2 =	simm.s32 @!p0 $0x1C09  }
0x15e: {  	[timem:s3], [sflag:s2] =	dma.local @!p0 [hbm:s0], s1  }
0x15f: {  	s0 =	simm.s32 @!p0 $0x9  }
0x160: {  	_ =	swait.ge @!p0 [sflag:s0], s1  }
0x161: {  	s1 =	ssub.s32 @!p0 $0x0, s1;
	[sflag:s0] =	ssyncset.done @!p0 $0x0  }
0x162: {  	[sflag:s0] =	ssyncadd.s32 @!p0 s1  }
0x163: {  	[bflag:$0x3] =	sbarrier.arrive $0xFFFF  }
0x164: {  	_ =	shalt  }

</sc_bundles>
